<compile_context>
chip_gen: v7x
topology: tpu7x:2x2x1
jax: 0.10.2.dev20260603
libtpu: 0.0.44.dev20260713+nightly
codegen_flags: <defaults>
</compile_context>

<pallas_src>
import functools

import jax
import jax.numpy as jnp
from jax import lax
from jax.experimental import pallas as pl
from jax.experimental.pallas import tpu as pltpu
from jax.experimental.pallas import tpu_sc as plsc

B, H, W_IN, C = 8, 112, 112, 96
OUT_H, OUT_W = 2 * H, 2 * W_IN
N = B * H * W_IN * C
M = B * OUT_H * OUT_W * C

NTILE = 16
NCHUNK = 24
CHUNK = M // NCHUNK
PAD = 256
SLICE = CHUNK // NTILE
TS = N // NTILE
WIN = 3584
NWIN = TS // WIN
VPW = WIN // 16
UNROLL = 16
NSET = 4


def _sc_body(idx_hbm, upd_hbm, zeros_hbm, out_hbm, *scratch):
    ibs = scratch[0:4]
    vbs = scratch[4:8]
    acc = scratch[8]
    insems = scratch[9:13]
    scsems = scratch[13:17]

    c = lax.axis_index("c")
    s = lax.axis_index("s")

    iota = lax.iota(jnp.int32, 16)
    dump_u = plsc.bitcast(CHUNK + 8 * iota, jnp.uint32)

    def _issue_in(w, t):
        src = s * TS + w * WIN
        pltpu.async_copy(idx_hbm.at[pl.ds(src, WIN)], ibs[t], insems[t])
        pltpu.async_copy(upd_hbm.at[pl.ds(src, WIN)], vbs[t], insems[t])

    def _wait_in(w, t):
        src = s * TS + w * WIN
        pltpu.make_async_copy(idx_hbm.at[pl.ds(src, WIN)], ibs[t],
                              insems[t]).wait()
        pltpu.make_async_copy(upd_hbm.at[pl.ds(src, WIN)], vbs[t],
                              insems[t]).wait()

    def _drain_scat(t):
        pltpu.make_async_copy(vbs[t], acc.at[ibs[t]], scsems[t]).wait()

    def _chunk(k, carry):
        chunk_id = 2 * k + c

        @pl.when(chunk_id < NCHUNK)
        def _():
            base = chunk_id * CHUNK
            base_vec = jnp.full((16,), 0, jnp.int32) + base
            _issue_in(0, 0)
            _issue_in(1, 1)
            pltpu.sync_copy(zeros_hbm, acc.at[pl.ds(s * SLICE, SLICE)])
            plsc.subcore_barrier()

            def _step(w, t):
                ib = ibs[t]
                _wait_in(w, t)

                def _vecs(j, vcarry):
                    for u_ in range(UNROLL):
                        v = j * UNROLL + u_
                        u = plsc.bitcast(ib[pl.ds(v * 16, 16)] - base_vec,
                                         jnp.uint32)
                        off = jnp.minimum(u, dump_u + u_)
                        ib[pl.ds(v * 16, 16)] = plsc.bitcast(off, jnp.int32)
                    return vcarry

                lax.fori_loop(0, VPW // UNROLL, _vecs, 0)
                pltpu.async_copy(vbs[t], acc.at[ib], scsems[t], add=True)

                tn = (t + 2) % NSET

                @pl.when(w >= 2)
                def _():
                    _drain_scat(tn)

                @pl.when(w + 2 < NWIN)
                def _():
                    _issue_in(w + 2, tn)

            def _group(j, wcarry):
                for t in range(NSET):
                    _step(NSET * j + t, t)
                return wcarry

            lax.fori_loop(0, NWIN // NSET, _group, 0)
            _drain_scat((NWIN - 2) % NSET)
            _drain_scat((NWIN - 1) % NSET)
            plsc.subcore_barrier()
            pltpu.sync_copy(
                acc.at[pl.ds(s * SLICE, SLICE)],
                out_hbm.at[pl.ds(base + s * SLICE, SLICE)],
            )

        return carry

    lax.fori_loop(0, (NCHUNK + 1) // 2, _chunk, 0)


@functools.partial(
    pl.kernel,
    mesh=plsc.VectorSubcoreMesh(core_axis_name="c", subcore_axis_name="s"),
    out_type=jax.ShapeDtypeStruct((M,), jnp.float32),
    scratch_types=[
        pltpu.VMEM((WIN,), jnp.int32),
        pltpu.VMEM((WIN,), jnp.int32),
        pltpu.VMEM((WIN,), jnp.int32),
        pltpu.VMEM((WIN,), jnp.int32),
        pltpu.VMEM((WIN,), jnp.float32),
        pltpu.VMEM((WIN,), jnp.float32),
        pltpu.VMEM((WIN,), jnp.float32),
        pltpu.VMEM((WIN,), jnp.float32),
        pltpu.VMEM_SHARED((CHUNK + PAD,), jnp.float32),
        pltpu.SemaphoreType.DMA,
        pltpu.SemaphoreType.DMA,
        pltpu.SemaphoreType.DMA,
        pltpu.SemaphoreType.DMA,
        pltpu.SemaphoreType.DMA,
        pltpu.SemaphoreType.DMA,
        pltpu.SemaphoreType.DMA,
        pltpu.SemaphoreType.DMA,
    ],
)
def _scatter_add(idx_hbm, upd_hbm, zeros_hbm, out_hbm, *scratch):
    _sc_body(idx_hbm, upd_hbm, zeros_hbm, out_hbm, *scratch)


@jax.jit
def kernel(updates, mask):
    idx = mask.reshape(-1).astype(jnp.int32)
    upd = updates.reshape(-1)
    zeros = jnp.zeros((SLICE,), jnp.float32)
    flat = _scatter_add(idx, upd, zeros)
    return flat.reshape(-1, OUT_H, OUT_W, C)

# --- scband reference (transcript-rebuilt; emitter-appended) ---
"""Pipeline reference for scband-max-unpooling2-d22-75591424410238 (READ-ONLY COPY).

The authoritative reference and input builder live on the scoring server;
editing this copy changes nothing except your own understanding.
"""

import jax, jax.numpy as jnp
import numpy as np

B, H, W, C = 8, 112, 112, 96
SIZE = (2, 2)

def setup_inputs(seed: int = 0) -> dict:
    key = jax.random.key(seed)
    k1, k2 = jax.random.split(key)
    updates = jax.random.normal(k1, (B, H, W, C), dtype=jnp.float32)
    out_size = B * H * SIZE[0] * W * SIZE[1] * C
    mask = jax.random.randint(k2, (B, H, W, C), 0, out_size, dtype=jnp.int64)
    return {"updates": updates, "mask": mask}

def reference(updates, mask):
    # Faithful translation of MaxUnpooling2D22.call:
    #   output_shape = (B, H*size0, W*size1, C)
    #   ret = tf.scatter_nd(expand_dims(flatten(mask)), flatten(updates), [prod(output_shape)])
    #   (tf.scatter_nd sums duplicate indices -> use .at[].add)
    b, h, w, c = updates.shape
    out_h = h * SIZE[0]
    out_w = w * SIZE[1]
    out_size = b * out_h * out_w * c
    mask_i = mask.astype(jnp.int32)
    flat = jnp.zeros((out_size,), dtype=updates.dtype).at[mask_i.reshape(-1)].add(updates.reshape(-1))
    return flat.reshape(-1, out_h, out_w, c)

if False:  # reference __main__ guard neutralized (emitter)
    out = reference(**setup_inputs())
    print(out.shape)

if __name__ == "__main__":
    import jax
    _d = setup_inputs()
    print(jax.jit(kernel)(*tuple(_d.values())))

</pallas_src>

<mosaic_0001>
#map = affine_map<(d0, d1) -> (0)>
module attributes {stable_mosaic.version = 14 : i64} {
  func.func @_scatter_add(%arg0: i32, %arg1: i32, %arg2: memref<9633792xi32, #tpu.memory_space<hbm>>, %arg3: memref<9633792xf32, #tpu.memory_space<hbm>>, %arg4: memref<100352xf32, #tpu.memory_space<hbm>>, %arg5: memref<38535168xf32, #tpu.memory_space<hbm>>, %arg6: memref<3584xi32, #tpu.memory_space<vmem>>, %arg7: memref<3584xi32, #tpu.memory_space<vmem>>, %arg8: memref<3584xi32, #tpu.memory_space<vmem>>, %arg9: memref<3584xi32, #tpu.memory_space<vmem>>, %arg10: memref<3584xf32, #tpu.memory_space<vmem>>, %arg11: memref<3584xf32, #tpu.memory_space<vmem>>, %arg12: memref<3584xf32, #tpu.memory_space<vmem>>, %arg13: memref<3584xf32, #tpu.memory_space<vmem>>, %arg14: memref<1605888xf32, #tpu.memory_space<vmem_shared>>, %arg15: memref<!tpu.dma_semaphore, #tpu.memory_space<semaphore_mem>>, %arg16: memref<!tpu.dma_semaphore, #tpu.memory_space<semaphore_mem>>, %arg17: memref<!tpu.dma_semaphore, #tpu.memory_space<semaphore_mem>>, %arg18: memref<!tpu.dma_semaphore, #tpu.memory_space<semaphore_mem>>, %arg19: memref<!tpu.dma_semaphore, #tpu.memory_space<semaphore_mem>>, %arg20: memref<!tpu.dma_semaphore, #tpu.memory_space<semaphore_mem>>, %arg21: memref<!tpu.dma_semaphore, #tpu.memory_space<semaphore_mem>>, %arg22: memref<!tpu.dma_semaphore, #tpu.memory_space<semaphore_mem>>) attributes {dimension_semantics = [#tpu.dimension_semantics<core_parallel>, #tpu.dimension_semantics<subcore_parallel>], iteration_bounds = array<i64: 2, 16>, scalar_prefetch = 0 : i64, scratch_operands = 17 : i64, tpu.core_type = #tpu.core_type<sc_vector_subcore>, window_params = [{transform_indices = #map}, {transform_indices = #map}, {transform_indices = #map}, {transform_indices = #map}]} {
    %iota3A = tpu.iota {dimensions = array<i32: 0>} : vector<16xi32>
    %mul3A = arith.constant 8 : i32
    %mul3A_0 = vector.broadcast %mul3A : i32 to vector<16xi32>
    %mul3A_1 = arith.muli %mul3A_0, %iota3A : vector<16xi32>
    %add3A = arith.constant 1605632 : i32
    %add3A_2 = vector.broadcast %add3A : i32 to vector<16xi32>
    %add3A_3 = arith.addi %add3A_2, %mul3A_1 : vector<16xi32>
    %bitcast3A = vector.bitcast %add3A_3 : vector<16xi32> to vector<16xi32>
    %scan3A = arith.constant 0 : i32
    %scan3A_4 = arith.constant 0 : i32
    %scan3A_5 = arith.constant 12 : i32
    %scan3A_6 = arith.addi %scan3A_4, %scan3A_5 : i32
    %scan3A_7 = arith.constant 1 : i32
    scf.for %scan3A_9 = %scan3A_4 to %scan3A_6 step %scan3A_7  : i32 {
      %mul3A_10 = arith.constant 2 : i32
      %mul3A_11 = arith.muli %mul3A_10, %scan3A_9 : i32
      %add3A_12 = arith.addi %mul3A_11, %arg0 : i32
      %lt3A = arith.constant 24 : i32
      %lt3A_13 = arith.cmpi slt, %add3A_12, %lt3A : i32
      %convert_element_type3A = arith.extui %lt3A_13 : i1 to i32
      %cond3A = arith.constant 0 : i32
      %cond3A_14 = arith.cmpi ne, %convert_element_type3A, %cond3A : i32
      scf.if %cond3A_14 {
        %mul3A_15 = arith.constant 1605632 : i32
        %mul3A_16 = arith.muli %add3A_12, %mul3A_15 : i32
        %broadcast_in_dim3A = arith.constant 0 : i32
        %broadcast_in_dim3A_17 = vector.broadcast %broadcast_in_dim3A : i32 to vector<16xi32>
        %add3A_18 = vector.broadcast %mul3A_16 : i32 to vector<16xi32>
        %add3A_19 = arith.addi %broadcast_in_dim3A_17, %add3A_18 : vector<16xi32>
        %mul3A_20 = arith.constant 602112 : i32
        %mul3A_21 = arith.muli %arg1, %mul3A_20 : i32
        %add3A_22 = arith.constant 0 : i32
        %add3A_23 = arith.addi %mul3A_21, %add3A_22 : i32
        %dma_start3A = tpu.memref_slice %arg2[%add3A_23] : memref<9633792xi32, #tpu.memory_space<hbm>> -> memref<3584xi32, #tpu.memory_space<hbm>>
        %dma_start3A_24 = tpu.memref_slice %arg2[%add3A_23] : memref<9633792xi32, #tpu.memory_space<hbm>> -> memref<3584xi32, #tpu.memory_space<hbm>>
        tpu.enqueue_dma source(%dma_start3A_24 : memref<3584xi32, #tpu.memory_space<hbm>>) target(%arg6 : memref<3584xi32, #tpu.memory_space<vmem>>) target_semaphore(%arg15 : memref<!tpu.dma_semaphore, #tpu.memory_space<semaphore_mem>>)
        %dma_start3A_25 = tpu.memref_slice %arg3[%add3A_23] : memref<9633792xf32, #tpu.memory_space<hbm>> -> memref<3584xf32, #tpu.memory_space<hbm>>
        %dma_start3A_26 = tpu.memref_slice %arg3[%add3A_23] : memref<9633792xf32, #tpu.memory_space<hbm>> -> memref<3584xf32, #tpu.memory_space<hbm>>
        tpu.enqueue_dma source(%dma_start3A_26 : memref<3584xf32, #tpu.memory_space<hbm>>) target(%arg10 : memref<3584xf32, #tpu.memory_space<vmem>>) target_semaphore(%arg15 : memref<!tpu.dma_semaphore, #tpu.memory_space<semaphore_mem>>)
        %mul3A_27 = arith.constant 602112 : i32
        %mul3A_28 = arith.muli %arg1, %mul3A_27 : i32
        %add3A_29 = arith.constant 3584 : i32
        %add3A_30 = arith.addi %mul3A_28, %add3A_29 : i32
        %dma_start3A_31 = tpu.memref_slice %arg2[%add3A_30] : memref<9633792xi32, #tpu.memory_space<hbm>> -> memref<3584xi32, #tpu.memory_space<hbm>>
        %dma_start3A_32 = tpu.memref_slice %arg2[%add3A_30] : memref<9633792xi32, #tpu.memory_space<hbm>> -> memref<3584xi32, #tpu.memory_space<hbm>>
        tpu.enqueue_dma source(%dma_start3A_32 : memref<3584xi32, #tpu.memory_space<hbm>>) target(%arg7 : memref<3584xi32, #tpu.memory_space<vmem>>) target_semaphore(%arg16 : memref<!tpu.dma_semaphore, #tpu.memory_space<semaphore_mem>>)
        %dma_start3A_33 = tpu.memref_slice %arg3[%add3A_30] : memref<9633792xf32, #tpu.memory_space<hbm>> -> memref<3584xf32, #tpu.memory_space<hbm>>
        %dma_start3A_34 = tpu.memref_slice %arg3[%add3A_30] : memref<9633792xf32, #tpu.memory_space<hbm>> -> memref<3584xf32, #tpu.memory_space<hbm>>
        tpu.enqueue_dma source(%dma_start3A_34 : memref<3584xf32, #tpu.memory_space<hbm>>) target(%arg11 : memref<3584xf32, #tpu.memory_space<vmem>>) target_semaphore(%arg16 : memref<!tpu.dma_semaphore, #tpu.memory_space<semaphore_mem>>)
        %mul3A_35 = arith.constant 100352 : i32
        %mul3A_36 = arith.muli %arg1, %mul3A_35 : i32
        "tpu.region"() ({
          %run_scoped3A = tpu.sem_alloc : memref<!tpu.dma_semaphore, #tpu.memory_space<semaphore_mem>>
          %dma_start3A_52 = tpu.memref_slice %arg14[%mul3A_36] : memref<1605888xf32, #tpu.memory_space<vmem_shared>> -> memref<100352xf32, #tpu.memory_space<vmem_shared>>
          tpu.enqueue_dma source(%arg4 : memref<100352xf32, #tpu.memory_space<hbm>>) target(%dma_start3A_52 : memref<100352xf32, #tpu.memory_space<vmem_shared>>) target_semaphore(%run_scoped3A : memref<!tpu.dma_semaphore, #tpu.memory_space<semaphore_mem>>)
          %dma_wait3A_53 = tpu.memref_slice %arg14[%mul3A_36] : memref<1605888xf32, #tpu.memory_space<vmem_shared>> -> memref<100352xf32, #tpu.memory_space<vmem_shared>>
          tpu.wait_dma2 semaphore(%run_scoped3A : memref<!tpu.dma_semaphore, #tpu.memory_space<semaphore_mem>>) src(%arg4 : memref<100352xf32, #tpu.memory_space<hbm>>) dst(%dma_wait3A_53 : memref<100352xf32, #tpu.memory_space<vmem_shared>>)
          tpu.yield
        }) : () -> ()
        %barrier3A = arith.constant 0 : index
        tpu.barrier barrier_id(%barrier3A)
        %scan3A_37 = arith.constant 0 : i32
        %scan3A_38 = arith.constant 0 : i32
        %scan3A_39 = arith.constant 42 : i32
        %scan3A_40 = arith.addi %scan3A_38, %scan3A_39 : i32
        %scan3A_41 = arith.constant 1 : i32
        scf.for %scan3A_52 = %scan3A_38 to %scan3A_40 step %scan3A_41  : i32 {
          %mul3A_53 = arith.constant 4 : i32
          %mul3A_54 = arith.muli %mul3A_53, %scan3A_52 : i32
          %add3A_55 = arith.constant 0 : i32
          %add3A_56 = arith.addi %mul3A_54, %add3A_55 : i32
          %mul3A_57 = arith.constant 602112 : i32
          %mul3A_58 = arith.muli %arg1, %mul3A_57 : i32
          %mul3A_59 = arith.constant 3584 : i32
          %mul3A_60 = arith.muli %add3A_56, %mul3A_59 : i32
          %add3A_61 = arith.addi %mul3A_58, %mul3A_60 : i32
          %dma_wait3A_62 = tpu.memref_slice %arg2[%add3A_61] : memref<9633792xi32, #tpu.memory_space<hbm>> -> memref<3584xi32, #tpu.memory_space<hbm>>
          %dma_wait3A_63 = tpu.memref_slice %arg2[%add3A_61] : memref<9633792xi32, #tpu.memory_space<hbm>> -> memref<3584xi32, #tpu.memory_space<hbm>>
          tpu.wait_dma2 semaphore(%arg15 : memref<!tpu.dma_semaphore, #tpu.memory_space<semaphore_mem>>) src(%dma_wait3A_63 : memref<3584xi32, #tpu.memory_space<hbm>>) dst(%arg6 : memref<3584xi32, #tpu.memory_space<vmem>>)
          %dma_wait3A_64 = tpu.memref_slice %arg3[%add3A_61] : memref<9633792xf32, #tpu.memory_space<hbm>> -> memref<3584xf32, #tpu.memory_space<hbm>>
          %dma_wait3A_65 = tpu.memref_slice %arg3[%add3A_61] : memref<9633792xf32, #tpu.memory_space<hbm>> -> memref<3584xf32, #tpu.memory_space<hbm>>
          tpu.wait_dma2 semaphore(%arg15 : memref<!tpu.dma_semaphore, #tpu.memory_space<semaphore_mem>>) src(%dma_wait3A_65 : memref<3584xf32, #tpu.memory_space<hbm>>) dst(%arg10 : memref<3584xf32, #tpu.memory_space<vmem>>)
          %scan3A_66 = arith.constant 0 : i32
          %scan3A_67 = arith.constant 0 : i32
          %scan3A_68 = arith.constant 14 : i32
          %scan3A_69 = arith.addi %scan3A_67, %scan3A_68 : i32
          %scan3A_70 = arith.constant 1 : i32
          scf.for %scan3A_184 = %scan3A_67 to %scan3A_69 step %scan3A_70  : i32 {
            %mul3A_185 = arith.constant 16 : i32
            %mul3A_186 = arith.muli %scan3A_184, %mul3A_185 : i32
            %add3A_187 = arith.constant 0 : i32
            %add3A_188 = arith.addi %mul3A_186, %add3A_187 : i32
            %mul3A_189 = arith.constant 16 : i32
            %mul3A_190 = arith.muli %add3A_188, %mul3A_189 : i32
            %get3A = arith.index_cast %mul3A_190 : i32 to index
            %get3A_191 = tpu.vector_load %arg6[%get3A] {strides = array<i32>} : memref<3584xi32, #tpu.memory_space<vmem>>, vector<16xi32>,
            %get3A_192 = vector.shape_cast %get3A_191 : vector<16xi32> to vector<16xi32>
            %sub3A = arith.subi %get3A_192, %add3A_19 : vector<16xi32>
            %bitcast3A_193 = vector.bitcast %sub3A : vector<16xi32> to vector<16xi32>
            %add3A_194 = arith.constant 0 : i32
            %add3A_195 = vector.broadcast %add3A_194 : i32 to vector<16xi32>
            %add3A_196 = arith.addi %bitcast3A, %add3A_195 : vector<16xi32>
            %min3A = arith.minui %bitcast3A_193, %add3A_196 : vector<16xi32>
            %bitcast3A_197 = vector.bitcast %min3A : vector<16xi32> to vector<16xi32>
            %mul3A_198 = arith.constant 16 : i32
            %mul3A_199 = arith.muli %add3A_188, %mul3A_198 : i32
            %swap3A = arith.index_cast %mul3A_199 : i32 to index
            %swap3A_200 = tpu.vector_load %arg6[%swap3A] {strides = array<i32>} : memref<3584xi32, #tpu.memory_space<vmem>>, vector<16xi32>,
            %swap3A_201 = vector.shape_cast %swap3A_200 : vector<16xi32> to vector<16xi32>
            %swap3A_202 = vector.shape_cast %bitcast3A_197 : vector<16xi32> to vector<16xi32>
            tpu.vector_store %arg6[%swap3A], %swap3A_202 {strides = array<i32>} : memref<3584xi32, #tpu.memory_space<vmem>>, vector<16xi32>,
            %mul3A_203 = arith.constant 16 : i32
            %mul3A_204 = arith.muli %scan3A_184, %mul3A_203 : i32
            %add3A_205 = arith.constant 1 : i32
            %add3A_206 = arith.addi %mul3A_204, %add3A_205 : i32
            %mul3A_207 = arith.constant 16 : i32
            %mul3A_208 = arith.muli %add3A_206, %mul3A_207 : i32
            %get3A_209 = arith.index_cast %mul3A_208 : i32 to index
            %get3A_210 = tpu.vector_load %arg6[%get3A_209] {strides = array<i32>} : memref<3584xi32, #tpu.memory_space<vmem>>, vector<16xi32>,
            %get3A_211 = vector.shape_cast %get3A_210 : vector<16xi32> to vector<16xi32>
            %sub3A_212 = arith.subi %get3A_211, %add3A_19 : vector<16xi32>
            %bitcast3A_213 = vector.bitcast %sub3A_212 : vector<16xi32> to vector<16xi32>
            %add3A_214 = arith.constant 1 : i32
            %add3A_215 = vector.broadcast %add3A_214 : i32 to vector<16xi32>
            %add3A_216 = arith.addi %bitcast3A, %add3A_215 : vector<16xi32>
            %min3A_217 = arith.minui %bitcast3A_213, %add3A_216 : vector<16xi32>
            %bitcast3A_218 = vector.bitcast %min3A_217 : vector<16xi32> to vector<16xi32>
            %mul3A_219 = arith.constant 16 : i32
            %mul3A_220 = arith.muli %add3A_206, %mul3A_219 : i32
            %swap3A_221 = arith.index_cast %mul3A_220 : i32 to index
            %swap3A_222 = tpu.vector_load %arg6[%swap3A_221] {strides = array<i32>} : memref<3584xi32, #tpu.memory_space<vmem>>, vector<16xi32>,
            %swap3A_223 = vector.shape_cast %swap3A_222 : vector<16xi32> to vector<16xi32>
            %swap3A_224 = vector.shape_cast %bitcast3A_218 : vector<16xi32> to vector<16xi32>
            tpu.vector_store %arg6[%swap3A_221], %swap3A_224 {strides = array<i32>} : memref<3584xi32, #tpu.memory_space<vmem>>, vector<16xi32>,
            %mul3A_225 = arith.constant 16 : i32
            %mul3A_226 = arith.muli %scan3A_184, %mul3A_225 : i32
            %add3A_227 = arith.constant 2 : i32
            %add3A_228 = arith.addi %mul3A_226, %add3A_227 : i32
            %mul3A_229 = arith.constant 16 : i32
            %mul3A_230 = arith.muli %add3A_228, %mul3A_229 : i32
            %get3A_231 = arith.index_cast %mul3A_230 : i32 to index
            %get3A_232 = tpu.vector_load %arg6[%get3A_231] {strides = array<i32>} : memref<3584xi32, #tpu.memory_space<vmem>>, vector<16xi32>,
            %get3A_233 = vector.shape_cast %get3A_232 : vector<16xi32> to vector<16xi32>
            %sub3A_234 = arith.subi %get3A_233, %add3A_19 : vector<16xi32>
            %bitcast3A_235 = vector.bitcast %sub3A_234 : vector<16xi32> to vector<16xi32>
            %add3A_236 = arith.constant 2 : i32
            %add3A_237 = vector.broadcast %add3A_236 : i32 to vector<16xi32>
            %add3A_238 = arith.addi %bitcast3A, %add3A_237 : vector<16xi32>
            %min3A_239 = arith.minui %bitcast3A_235, %add3A_238 : vector<16xi32>
            %bitcast3A_240 = vector.bitcast %min3A_239 : vector<16xi32> to vector<16xi32>
            %mul3A_241 = arith.constant 16 : i32
            %mul3A_242 = arith.muli %add3A_228, %mul3A_241 : i32
            %swap3A_243 = arith.index_cast %mul3A_242 : i32 to index
            %swap3A_244 = tpu.vector_load %arg6[%swap3A_243] {strides = array<i32>} : memref<3584xi32, #tpu.memory_space<vmem>>, vector<16xi32>,
            %swap3A_245 = vector.shape_cast %swap3A_244 : vector<16xi32> to vector<16xi32>
            %swap3A_246 = vector.shape_cast %bitcast3A_240 : vector<16xi32> to vector<16xi32>
            tpu.vector_store %arg6[%swap3A_243], %swap3A_246 {strides = array<i32>} : memref<3584xi32, #tpu.memory_space<vmem>>, vector<16xi32>,
            %mul3A_247 = arith.constant 16 : i32
            %mul3A_248 = arith.muli %scan3A_184, %mul3A_247 : i32
            %add3A_249 = arith.constant 3 : i32
            %add3A_250 = arith.addi %mul3A_248, %add3A_249 : i32
            %mul3A_251 = arith.constant 16 : i32
            %mul3A_252 = arith.muli %add3A_250, %mul3A_251 : i32
            %get3A_253 = arith.index_cast %mul3A_252 : i32 to index
            %get3A_254 = tpu.vector_load %arg6[%get3A_253] {strides = array<i32>} : memref<3584xi32, #tpu.memory_space<vmem>>, vector<16xi32>,
            %get3A_255 = vector.shape_cast %get3A_254 : vector<16xi32> to vector<16xi32>
            %sub3A_256 = arith.subi %get3A_255, %add3A_19 : vector<16xi32>
            %bitcast3A_257 = vector.bitcast %sub3A_256 : vector<16xi32> to vector<16xi32>
            %add3A_258 = arith.constant 3 : i32
            %add3A_259 = vector.broadcast %add3A_258 : i32 to vector<16xi32>
            %add3A_260 = arith.addi %bitcast3A, %add3A_259 : vector<16xi32>
            %min3A_261 = arith.minui %bitcast3A_257, %add3A_260 : vector<16xi32>
            %bitcast3A_262 = vector.bitcast %min3A_261 : vector<16xi32> to vector<16xi32>
            %mul3A_263 = arith.constant 16 : i32
            %mul3A_264 = arith.muli %add3A_250, %mul3A_263 : i32
            %swap3A_265 = arith.index_cast %mul3A_264 : i32 to index
            %swap3A_266 = tpu.vector_load %arg6[%swap3A_265] {strides = array<i32>} : memref<3584xi32, #tpu.memory_space<vmem>>, vector<16xi32>,
            %swap3A_267 = vector.shape_cast %swap3A_266 : vector<16xi32> to vector<16xi32>
            %swap3A_268 = vector.shape_cast %bitcast3A_262 : vector<16xi32> to vector<16xi32>
            tpu.vector_store %arg6[%swap3A_265], %swap3A_268 {strides = array<i32>} : memref<3584xi32, #tpu.memory_space<vmem>>, vector<16xi32>,
            %mul3A_269 = arith.constant 16 : i32
            %mul3A_270 = arith.muli %scan3A_184, %mul3A_269 : i32
            %add3A_271 = arith.constant 4 : i32
            %add3A_272 = arith.addi %mul3A_270, %add3A_271 : i32
            %mul3A_273 = arith.constant 16 : i32
            %mul3A_274 = arith.muli %add3A_272, %mul3A_273 : i32
            %get3A_275 = arith.index_cast %mul3A_274 : i32 to index
            %get3A_276 = tpu.vector_load %arg6[%get3A_275] {strides = array<i32>} : memref<3584xi32, #tpu.memory_space<vmem>>, vector<16xi32>,
            %get3A_277 = vector.shape_cast %get3A_276 : vector<16xi32> to vector<16xi32>
            %sub3A_278 = arith.subi %get3A_277, %add3A_19 : vector<16xi32>
            %bitcast3A_279 = vector.bitcast %sub3A_278 : vector<16xi32> to vector<16xi32>
            %add3A_280 = arith.constant 4 : i32
            %add3A_281 = vector.broadcast %add3A_280 : i32 to vector<16xi32>
            %add3A_282 = arith.addi %bitcast3A, %add3A_281 : vector<16xi32>
            %min3A_283 = arith.minui %bitcast3A_279, %add3A_282 : vector<16xi32>
            %bitcast3A_284 = vector.bitcast %min3A_283 : vector<16xi32> to vector<16xi32>
            %mul3A_285 = arith.constant 16 : i32
            %mul3A_286 = arith.muli %add3A_272, %mul3A_285 : i32
            %swap3A_287 = arith.index_cast %mul3A_286 : i32 to index
            %swap3A_288 = tpu.vector_load %arg6[%swap3A_287] {strides = array<i32>} : memref<3584xi32, #tpu.memory_space<vmem>>, vector<16xi32>,
            %swap3A_289 = vector.shape_cast %swap3A_288 : vector<16xi32> to vector<16xi32>
            %swap3A_290 = vector.shape_cast %bitcast3A_284 : vector<16xi32> to vector<16xi32>
            tpu.vector_store %arg6[%swap3A_287], %swap3A_290 {strides = array<i32>} : memref<3584xi32, #tpu.memory_space<vmem>>, vector<16xi32>,
            %mul3A_291 = arith.constant 16 : i32
            %mul3A_292 = arith.muli %scan3A_184, %mul3A_291 : i32
            %add3A_293 = arith.constant 5 : i32
            %add3A_294 = arith.addi %mul3A_292, %add3A_293 : i32
            %mul3A_295 = arith.constant 16 : i32
            %mul3A_296 = arith.muli %add3A_294, %mul3A_295 : i32
            %get3A_297 = arith.index_cast %mul3A_296 : i32 to index
            %get3A_298 = tpu.vector_load %arg6[%get3A_297] {strides = array<i32>} : memref<3584xi32, #tpu.memory_space<vmem>>, vector<16xi32>,
            %get3A_299 = vector.shape_cast %get3A_298 : vector<16xi32> to vector<16xi32>
            %sub3A_300 = arith.subi %get3A_299, %add3A_19 : vector<16xi32>
            %bitcast3A_301 = vector.bitcast %sub3A_300 : vector<16xi32> to vector<16xi32>
            %add3A_302 = arith.constant 5 : i32
            %add3A_303 = vector.broadcast %add3A_302 : i32 to vector<16xi32>
            %add3A_304 = arith.addi %bitcast3A, %add3A_303 : vector<16xi32>
            %min3A_305 = arith.minui %bitcast3A_301, %add3A_304 : vector<16xi32>
            %bitcast3A_306 = vector.bitcast %min3A_305 : vector<16xi32> to vector<16xi32>
            %mul3A_307 = arith.constant 16 : i32
            %mul3A_308 = arith.muli %add3A_294, %mul3A_307 : i32
            %swap3A_309 = arith.index_cast %mul3A_308 : i32 to index
            %swap3A_310 = tpu.vector_load %arg6[%swap3A_309] {strides = array<i32>} : memref<3584xi32, #tpu.memory_space<vmem>>, vector<16xi32>,
            %swap3A_311 = vector.shape_cast %swap3A_310 : vector<16xi32> to vector<16xi32>
            %swap3A_312 = vector.shape_cast %bitcast3A_306 : vector<16xi32> to vector<16xi32>
            tpu.vector_store %arg6[%swap3A_309], %swap3A_312 {strides = array<i32>} : memref<3584xi32, #tpu.memory_space<vmem>>, vector<16xi32>,
            %mul3A_313 = arith.constant 16 : i32
            %mul3A_314 = arith.muli %scan3A_184, %mul3A_313 : i32
            %add3A_315 = arith.constant 6 : i32
            %add3A_316 = arith.addi %mul3A_314, %add3A_315 : i32
            %mul3A_317 = arith.constant 16 : i32
            %mul3A_318 = arith.muli %add3A_316, %mul3A_317 : i32
            %get3A_319 = arith.index_cast %mul3A_318 : i32 to index
            %get3A_320 = tpu.vector_load %arg6[%get3A_319] {strides = array<i32>} : memref<3584xi32, #tpu.memory_space<vmem>>, vector<16xi32>,
            %get3A_321 = vector.shape_cast %get3A_320 : vector<16xi32> to vector<16xi32>
            %sub3A_322 = arith.subi %get3A_321, %add3A_19 : vector<16xi32>
            %bitcast3A_323 = vector.bitcast %sub3A_322 : vector<16xi32> to vector<16xi32>
            %add3A_324 = arith.constant 6 : i32
            %add3A_325 = vector.broadcast %add3A_324 : i32 to vector<16xi32>
            %add3A_326 = arith.addi %bitcast3A, %add3A_325 : vector<16xi32>
            %min3A_327 = arith.minui %bitcast3A_323, %add3A_326 : vector<16xi32>
            %bitcast3A_328 = vector.bitcast %min3A_327 : vector<16xi32> to vector<16xi32>
            %mul3A_329 = arith.constant 16 : i32
            %mul3A_330 = arith.muli %add3A_316, %mul3A_329 : i32
            %swap3A_331 = arith.index_cast %mul3A_330 : i32 to index
            %swap3A_332 = tpu.vector_load %arg6[%swap3A_331] {strides = array<i32>} : memref<3584xi32, #tpu.memory_space<vmem>>, vector<16xi32>,
            %swap3A_333 = vector.shape_cast %swap3A_332 : vector<16xi32> to vector<16xi32>
            %swap3A_334 = vector.shape_cast %bitcast3A_328 : vector<16xi32> to vector<16xi32>
            tpu.vector_store %arg6[%swap3A_331], %swap3A_334 {strides = array<i32>} : memref<3584xi32, #tpu.memory_space<vmem>>, vector<16xi32>,
            %mul3A_335 = arith.constant 16 : i32
            %mul3A_336 = arith.muli %scan3A_184, %mul3A_335 : i32
            %add3A_337 = arith.constant 7 : i32
            %add3A_338 = arith.addi %mul3A_336, %add3A_337 : i32
            %mul3A_339 = arith.constant 16 : i32
            %mul3A_340 = arith.muli %add3A_338, %mul3A_339 : i32
            %get3A_341 = arith.index_cast %mul3A_340 : i32 to index
            %get3A_342 = tpu.vector_load %arg6[%get3A_341] {strides = array<i32>} : memref<3584xi32, #tpu.memory_space<vmem>>, vector<16xi32>,
            %get3A_343 = vector.shape_cast %get3A_342 : vector<16xi32> to vector<16xi32>
            %sub3A_344 = arith.subi %get3A_343, %add3A_19 : vector<16xi32>
            %bitcast3A_345 = vector.bitcast %sub3A_344 : vector<16xi32> to vector<16xi32>
            %add3A_346 = arith.constant 7 : i32
            %add3A_347 = vector.broadcast %add3A_346 : i32 to vector<16xi32>
            %add3A_348 = arith.addi %bitcast3A, %add3A_347 : vector<16xi32>
            %min3A_349 = arith.minui %bitcast3A_345, %add3A_348 : vector<16xi32>
            %bitcast3A_350 = vector.bitcast %min3A_349 : vector<16xi32> to vector<16xi32>
            %mul3A_351 = arith.constant 16 : i32
            %mul3A_352 = arith.muli %add3A_338, %mul3A_351 : i32
            %swap3A_353 = arith.index_cast %mul3A_352 : i32 to index
            %swap3A_354 = tpu.vector_load %arg6[%swap3A_353] {strides = array<i32>} : memref<3584xi32, #tpu.memory_space<vmem>>, vector<16xi32>,
            %swap3A_355 = vector.shape_cast %swap3A_354 : vector<16xi32> to vector<16xi32>
            %swap3A_356 = vector.shape_cast %bitcast3A_350 : vector<16xi32> to vector<16xi32>
            tpu.vector_store %arg6[%swap3A_353], %swap3A_356 {strides = array<i32>} : memref<3584xi32, #tpu.memory_space<vmem>>, vector<16xi32>,
            %mul3A_357 = arith.constant 16 : i32
            %mul3A_358 = arith.muli %scan3A_184, %mul3A_357 : i32
            %add3A_359 = arith.constant 8 : i32
            %add3A_360 = arith.addi %mul3A_358, %add3A_359 : i32
            %mul3A_361 = arith.constant 16 : i32
            %mul3A_362 = arith.muli %add3A_360, %mul3A_361 : i32
            %get3A_363 = arith.index_cast %mul3A_362 : i32 to index
            %get3A_364 = tpu.vector_load %arg6[%get3A_363] {strides = array<i32>} : memref<3584xi32, #tpu.memory_space<vmem>>, vector<16xi32>,
            %get3A_365 = vector.shape_cast %get3A_364 : vector<16xi32> to vector<16xi32>
            %sub3A_366 = arith.subi %get3A_365, %add3A_19 : vector<16xi32>
            %bitcast3A_367 = vector.bitcast %sub3A_366 : vector<16xi32> to vector<16xi32>
            %add3A_368 = arith.constant 8 : i32
            %add3A_369 = vector.broadcast %add3A_368 : i32 to vector<16xi32>
            %add3A_370 = arith.addi %bitcast3A, %add3A_369 : vector<16xi32>
            %min3A_371 = arith.minui %bitcast3A_367, %add3A_370 : vector<16xi32>
            %bitcast3A_372 = vector.bitcast %min3A_371 : vector<16xi32> to vector<16xi32>
            %mul3A_373 = arith.constant 16 : i32
            %mul3A_374 = arith.muli %add3A_360, %mul3A_373 : i32
            %swap3A_375 = arith.index_cast %mul3A_374 : i32 to index
            %swap3A_376 = tpu.vector_load %arg6[%swap3A_375] {strides = array<i32>} : memref<3584xi32, #tpu.memory_space<vmem>>, vector<16xi32>,
            %swap3A_377 = vector.shape_cast %swap3A_376 : vector<16xi32> to vector<16xi32>
            %swap3A_378 = vector.shape_cast %bitcast3A_372 : vector<16xi32> to vector<16xi32>
            tpu.vector_store %arg6[%swap3A_375], %swap3A_378 {strides = array<i32>} : memref<3584xi32, #tpu.memory_space<vmem>>, vector<16xi32>,
            %mul3A_379 = arith.constant 16 : i32
            %mul3A_380 = arith.muli %scan3A_184, %mul3A_379 : i32
            %add3A_381 = arith.constant 9 : i32
            %add3A_382 = arith.addi %mul3A_380, %add3A_381 : i32
            %mul3A_383 = arith.constant 16 : i32
            %mul3A_384 = arith.muli %add3A_382, %mul3A_383 : i32
            %get3A_385 = arith.index_cast %mul3A_384 : i32 to index
            %get3A_386 = tpu.vector_load %arg6[%get3A_385] {strides = array<i32>} : memref<3584xi32, #tpu.memory_space<vmem>>, vector<16xi32>,
            %get3A_387 = vector.shape_cast %get3A_386 : vector<16xi32> to vector<16xi32>
            %sub3A_388 = arith.subi %get3A_387, %add3A_19 : vector<16xi32>
            %bitcast3A_389 = vector.bitcast %sub3A_388 : vector<16xi32> to vector<16xi32>
            %add3A_390 = arith.constant 9 : i32
            %add3A_391 = vector.broadcast %add3A_390 : i32 to vector<16xi32>
            %add3A_392 = arith.addi %bitcast3A, %add3A_391 : vector<16xi32>
            %min3A_393 = arith.minui %bitcast3A_389, %add3A_392 : vector<16xi32>
            %bitcast3A_394 = vector.bitcast %min3A_393 : vector<16xi32> to vector<16xi32>
            %mul3A_395 = arith.constant 16 : i32
            %mul3A_396 = arith.muli %add3A_382, %mul3A_395 : i32
            %swap3A_397 = arith.index_cast %mul3A_396 : i32 to index
            %swap3A_398 = tpu.vector_load %arg6[%swap3A_397] {strides = array<i32>} : memref<3584xi32, #tpu.memory_space<vmem>>, vector<16xi32>,
            %swap3A_399 = vector.shape_cast %swap3A_398 : vector<16xi32> to vector<16xi32>
            %swap3A_400 = vector.shape_cast %bitcast3A_394 : vector<16xi32> to vector<16xi32>
            tpu.vector_store %arg6[%swap3A_397], %swap3A_400 {strides = array<i32>} : memref<3584xi32, #tpu.memory_space<vmem>>, vector<16xi32>,
            %mul3A_401 = arith.constant 16 : i32
            %mul3A_402 = arith.muli %scan3A_184, %mul3A_401 : i32
            %add3A_403 = arith.constant 10 : i32
            %add3A_404 = arith.addi %mul3A_402, %add3A_403 : i32
            %mul3A_405 = arith.constant 16 : i32
            %mul3A_406 = arith.muli %add3A_404, %mul3A_405 : i32
            %get3A_407 = arith.index_cast %mul3A_406 : i32 to index
            %get3A_408 = tpu.vector_load %arg6[%get3A_407] {strides = array<i32>} : memref<3584xi32, #tpu.memory_space<vmem>>, vector<16xi32>,
            %get3A_409 = vector.shape_cast %get3A_408 : vector<16xi32> to vector<16xi32>
            %sub3A_410 = arith.subi %get3A_409, %add3A_19 : vector<16xi32>
            %bitcast3A_411 = vector.bitcast %sub3A_410 : vector<16xi32> to vector<16xi32>
            %add3A_412 = arith.constant 10 : i32
            %add3A_413 = vector.broadcast %add3A_412 : i32 to vector<16xi32>
            %add3A_414 = arith.addi %bitcast3A, %add3A_413 : vector<16xi32>
            %min3A_415 = arith.minui %bitcast3A_411, %add3A_414 : vector<16xi32>
            %bitcast3A_416 = vector.bitcast %min3A_415 : vector<16xi32> to vector<16xi32>
            %mul3A_417 = arith.constant 16 : i32
            %mul3A_418 = arith.muli %add3A_404, %mul3A_417 : i32
            %swap3A_419 = arith.index_cast %mul3A_418 : i32 to index
            %swap3A_420 = tpu.vector_load %arg6[%swap3A_419] {strides = array<i32>} : memref<3584xi32, #tpu.memory_space<vmem>>, vector<16xi32>,
            %swap3A_421 = vector.shape_cast %swap3A_420 : vector<16xi32> to vector<16xi32>
            %swap3A_422 = vector.shape_cast %bitcast3A_416 : vector<16xi32> to vector<16xi32>
            tpu.vector_store %arg6[%swap3A_419], %swap3A_422 {strides = array<i32>} : memref<3584xi32, #tpu.memory_space<vmem>>, vector<16xi32>,
            %mul3A_423 = arith.constant 16 : i32
            %mul3A_424 = arith.muli %scan3A_184, %mul3A_423 : i32
            %add3A_425 = arith.constant 11 : i32
            %add3A_426 = arith.addi %mul3A_424, %add3A_425 : i32
            %mul3A_427 = arith.constant 16 : i32
            %mul3A_428 = arith.muli %add3A_426, %mul3A_427 : i32
            %get3A_429 = arith.index_cast %mul3A_428 : i32 to index
            %get3A_430 = tpu.vector_load %arg6[%get3A_429] {strides = array<i32>} : memref<3584xi32, #tpu.memory_space<vmem>>, vector<16xi32>,
            %get3A_431 = vector.shape_cast %get3A_430 : vector<16xi32> to vector<16xi32>
            %sub3A_432 = arith.subi %get3A_431, %add3A_19 : vector<16xi32>
            %bitcast3A_433 = vector.bitcast %sub3A_432 : vector<16xi32> to vector<16xi32>
            %add3A_434 = arith.constant 11 : i32
            %add3A_435 = vector.broadcast %add3A_434 : i32 to vector<16xi32>
            %add3A_436 = arith.addi %bitcast3A, %add3A_435 : vector<16xi32>
            %min3A_437 = arith.minui %bitcast3A_433, %add3A_436 : vector<16xi32>
            %bitcast3A_438 = vector.bitcast %min3A_437 : vector<16xi32> to vector<16xi32>
            %mul3A_439 = arith.constant 16 : i32
            %mul3A_440 = arith.muli %add3A_426, %mul3A_439 : i32
            %swap3A_441 = arith.index_cast %mul3A_440 : i32 to index
            %swap3A_442 = tpu.vector_load %arg6[%swap3A_441] {strides = array<i32>} : memref<3584xi32, #tpu.memory_space<vmem>>, vector<16xi32>,
            %swap3A_443 = vector.shape_cast %swap3A_442 : vector<16xi32> to vector<16xi32>
            %swap3A_444 = vector.shape_cast %bitcast3A_438 : vector<16xi32> to vector<16xi32>
            tpu.vector_store %arg6[%swap3A_441], %swap3A_444 {strides = array<i32>} : memref<3584xi32, #tpu.memory_space<vmem>>, vector<16xi32>,
            %mul3A_445 = arith.constant 16 : i32
            %mul3A_446 = arith.muli %scan3A_184, %mul3A_445 : i32
            %add3A_447 = arith.constant 12 : i32
            %add3A_448 = arith.addi %mul3A_446, %add3A_447 : i32
            %mul3A_449 = arith.constant 16 : i32
            %mul3A_450 = arith.muli %add3A_448, %mul3A_449 : i32
            %get3A_451 = arith.index_cast %mul3A_450 : i32 to index
            %get3A_452 = tpu.vector_load %arg6[%get3A_451] {strides = array<i32>} : memref<3584xi32, #tpu.memory_space<vmem>>, vector<16xi32>,
            %get3A_453 = vector.shape_cast %get3A_452 : vector<16xi32> to vector<16xi32>
            %sub3A_454 = arith.subi %get3A_453, %add3A_19 : vector<16xi32>
            %bitcast3A_455 = vector.bitcast %sub3A_454 : vector<16xi32> to vector<16xi32>
            %add3A_456 = arith.constant 12 : i32
            %add3A_457 = vector.broadcast %add3A_456 : i32 to vector<16xi32>
            %add3A_458 = arith.addi %bitcast3A, %add3A_457 : vector<16xi32>
            %min3A_459 = arith.minui %bitcast3A_455, %add3A_458 : vector<16xi32>
            %bitcast3A_460 = vector.bitcast %min3A_459 : vector<16xi32> to vector<16xi32>
            %mul3A_461 = arith.constant 16 : i32
            %mul3A_462 = arith.muli %add3A_448, %mul3A_461 : i32
            %swap3A_463 = arith.index_cast %mul3A_462 : i32 to index
            %swap3A_464 = tpu.vector_load %arg6[%swap3A_463] {strides = array<i32>} : memref<3584xi32, #tpu.memory_space<vmem>>, vector<16xi32>,
            %swap3A_465 = vector.shape_cast %swap3A_464 : vector<16xi32> to vector<16xi32>
            %swap3A_466 = vector.shape_cast %bitcast3A_460 : vector<16xi32> to vector<16xi32>
            tpu.vector_store %arg6[%swap3A_463], %swap3A_466 {strides = array<i32>} : memref<3584xi32, #tpu.memory_space<vmem>>, vector<16xi32>,
            %mul3A_467 = arith.constant 16 : i32
            %mul3A_468 = arith.muli %scan3A_184, %mul3A_467 : i32
            %add3A_469 = arith.constant 13 : i32
            %add3A_470 = arith.addi %mul3A_468, %add3A_469 : i32
            %mul3A_471 = arith.constant 16 : i32
            %mul3A_472 = arith.muli %add3A_470, %mul3A_471 : i32
            %get3A_473 = arith.index_cast %mul3A_472 : i32 to index
            %get3A_474 = tpu.vector_load %arg6[%get3A_473] {strides = array<i32>} : memref<3584xi32, #tpu.memory_space<vmem>>, vector<16xi32>,
            %get3A_475 = vector.shape_cast %get3A_474 : vector<16xi32> to vector<16xi32>
            %sub3A_476 = arith.subi %get3A_475, %add3A_19 : vector<16xi32>
            %bitcast3A_477 = vector.bitcast %sub3A_476 : vector<16xi32> to vector<16xi32>
            %add3A_478 = arith.constant 13 : i32
            %add3A_479 = vector.broadcast %add3A_478 : i32 to vector<16xi32>
            %add3A_480 = arith.addi %bitcast3A, %add3A_479 : vector<16xi32>
            %min3A_481 = arith.minui %bitcast3A_477, %add3A_480 : vector<16xi32>
            %bitcast3A_482 = vector.bitcast %min3A_481 : vector<16xi32> to vector<16xi32>
            %mul3A_483 = arith.constant 16 : i32
            %mul3A_484 = arith.muli %add3A_470, %mul3A_483 : i32
            %swap3A_485 = arith.index_cast %mul3A_484 : i32 to index
            %swap3A_486 = tpu.vector_load %arg6[%swap3A_485] {strides = array<i32>} : memref<3584xi32, #tpu.memory_space<vmem>>, vector<16xi32>,
            %swap3A_487 = vector.shape_cast %swap3A_486 : vector<16xi32> to vector<16xi32>
            %swap3A_488 = vector.shape_cast %bitcast3A_482 : vector<16xi32> to vector<16xi32>
            tpu.vector_store %arg6[%swap3A_485], %swap3A_488 {strides = array<i32>} : memref<3584xi32, #tpu.memory_space<vmem>>, vector<16xi32>,
            %mul3A_489 = arith.constant 16 : i32
            %mul3A_490 = arith.muli %scan3A_184, %mul3A_489 : i32
            %add3A_491 = arith.constant 14 : i32
            %add3A_492 = arith.addi %mul3A_490, %add3A_491 : i32
            %mul3A_493 = arith.constant 16 : i32
            %mul3A_494 = arith.muli %add3A_492, %mul3A_493 : i32
            %get3A_495 = arith.index_cast %mul3A_494 : i32 to index
            %get3A_496 = tpu.vector_load %arg6[%get3A_495] {strides = array<i32>} : memref<3584xi32, #tpu.memory_space<vmem>>, vector<16xi32>,
            %get3A_497 = vector.shape_cast %get3A_496 : vector<16xi32> to vector<16xi32>
            %sub3A_498 = arith.subi %get3A_497, %add3A_19 : vector<16xi32>
            %bitcast3A_499 = vector.bitcast %sub3A_498 : vector<16xi32> to vector<16xi32>
            %add3A_500 = arith.constant 14 : i32
            %add3A_501 = vector.broadcast %add3A_500 : i32 to vector<16xi32>
            %add3A_502 = arith.addi %bitcast3A, %add3A_501 : vector<16xi32>
            %min3A_503 = arith.minui %bitcast3A_499, %add3A_502 : vector<16xi32>
            %bitcast3A_504 = vector.bitcast %min3A_503 : vector<16xi32> to vector<16xi32>
            %mul3A_505 = arith.constant 16 : i32
            %mul3A_506 = arith.muli %add3A_492, %mul3A_505 : i32
            %swap3A_507 = arith.index_cast %mul3A_506 : i32 to index
            %swap3A_508 = tpu.vector_load %arg6[%swap3A_507] {strides = array<i32>} : memref<3584xi32, #tpu.memory_space<vmem>>, vector<16xi32>,
            %swap3A_509 = vector.shape_cast %swap3A_508 : vector<16xi32> to vector<16xi32>
            %swap3A_510 = vector.shape_cast %bitcast3A_504 : vector<16xi32> to vector<16xi32>
            tpu.vector_store %arg6[%swap3A_507], %swap3A_510 {strides = array<i32>} : memref<3584xi32, #tpu.memory_space<vmem>>, vector<16xi32>,
            %mul3A_511 = arith.constant 16 : i32
            %mul3A_512 = arith.muli %scan3A_184, %mul3A_511 : i32
            %add3A_513 = arith.constant 15 : i32
            %add3A_514 = arith.addi %mul3A_512, %add3A_513 : i32
            %mul3A_515 = arith.constant 16 : i32
            %mul3A_516 = arith.muli %add3A_514, %mul3A_515 : i32
            %get3A_517 = arith.index_cast %mul3A_516 : i32 to index
            %get3A_518 = tpu.vector_load %arg6[%get3A_517] {strides = array<i32>} : memref<3584xi32, #tpu.memory_space<vmem>>, vector<16xi32>,
            %get3A_519 = vector.shape_cast %get3A_518 : vector<16xi32> to vector<16xi32>
            %sub3A_520 = arith.subi %get3A_519, %add3A_19 : vector<16xi32>
            %bitcast3A_521 = vector.bitcast %sub3A_520 : vector<16xi32> to vector<16xi32>
            %add3A_522 = arith.constant 15 : i32
            %add3A_523 = vector.broadcast %add3A_522 : i32 to vector<16xi32>
            %add3A_524 = arith.addi %bitcast3A, %add3A_523 : vector<16xi32>
            %min3A_525 = arith.minui %bitcast3A_521, %add3A_524 : vector<16xi32>
            %bitcast3A_526 = vector.bitcast %min3A_525 : vector<16xi32> to vector<16xi32>
            %mul3A_527 = arith.constant 16 : i32
            %mul3A_528 = arith.muli %add3A_514, %mul3A_527 : i32
            %swap3A_529 = arith.index_cast %mul3A_528 : i32 to index
            %swap3A_530 = tpu.vector_load %arg6[%swap3A_529] {strides = array<i32>} : memref<3584xi32, #tpu.memory_space<vmem>>, vector<16xi32>,
            %swap3A_531 = vector.shape_cast %swap3A_530 : vector<16xi32> to vector<16xi32>
            %swap3A_532 = vector.shape_cast %bitcast3A_526 : vector<16xi32> to vector<16xi32>
            tpu.vector_store %arg6[%swap3A_529], %swap3A_532 {strides = array<i32>} : memref<3584xi32, #tpu.memory_space<vmem>>, vector<16xi32>,
          }
          %scan3A_71 = arith.constant 14 : i32
          %dma_start3A_72 = arith.constant 0 : i32
          %dma_start3A_73 = tpu.memref_slice %arg14[%dma_start3A_72] : memref<1605888xf32, #tpu.memory_space<vmem_shared>> -> memref<1605888xf32, #tpu.memory_space<vmem_shared>>
          tpu.enqueue_indirect_dma source(%arg10 : memref<3584xf32, #tpu.memory_space<vmem>>) target(%dma_start3A_73 : memref<1605888xf32, #tpu.memory_space<vmem_shared>>) offsets(%arg6 : memref<3584xi32, #tpu.memory_space<vmem>>) semaphore(%arg19 : memref<!tpu.dma_semaphore, #tpu.memory_space<semaphore_mem>>) {add = true}
          %ge3A = arith.constant 2 : i32
          %ge3A_74 = arith.cmpi sge, %add3A_56, %ge3A : i32
          %convert_element_type3A_75 = arith.extui %ge3A_74 : i1 to i32
          %cond3A_76 = arith.constant 0 : i32
          %cond3A_77 = arith.cmpi ne, %convert_element_type3A_75, %cond3A_76 : i32
          scf.if %cond3A_77 {
            %dma_wait3A_184 = arith.constant 0 : i32
            %dma_wait3A_185 = tpu.memref_slice %arg14[%dma_wait3A_184] : memref<1605888xf32, #tpu.memory_space<vmem_shared>> -> memref<1605888xf32, #tpu.memory_space<vmem_shared>>
            tpu.wait_indirect_dma semaphore(%arg21 : memref<!tpu.dma_semaphore, #tpu.memory_space<semaphore_mem>>) src(%arg12 : memref<3584xf32, #tpu.memory_space<vmem>>) dst(%dma_wait3A_185 : memref<1605888xf32, #tpu.memory_space<vmem_shared>>)
          } else {
          }
          %add3A_78 = arith.constant 2 : i32
          %add3A_79 = arith.addi %add3A_56, %add3A_78 : i32
          %lt3A_80 = arith.constant 168 : i32
          %lt3A_81 = arith.cmpi slt, %add3A_79, %lt3A_80 : i32
          %convert_element_type3A_82 = arith.extui %lt3A_81 : i1 to i32
          %cond3A_83 = arith.constant 0 : i32
          %cond3A_84 = arith.cmpi ne, %convert_element_type3A_82, %cond3A_83 : i32
          scf.if %cond3A_84 {
            %add3A_184 = arith.constant 2 : i32
            %add3A_185 = arith.addi %add3A_56, %add3A_184 : i32
            %mul3A_186 = arith.constant 602112 : i32
            %mul3A_187 = arith.muli %arg1, %mul3A_186 : i32
            %mul3A_188 = arith.constant 3584 : i32
            %mul3A_189 = arith.muli %add3A_185, %mul3A_188 : i32
            %add3A_190 = arith.addi %mul3A_187, %mul3A_189 : i32
            %dma_start3A_191 = tpu.memref_slice %arg2[%add3A_190] : memref<9633792xi32, #tpu.memory_space<hbm>> -> memref<3584xi32, #tpu.memory_space<hbm>>
            %dma_start3A_192 = tpu.memref_slice %arg2[%add3A_190] : memref<9633792xi32, #tpu.memory_space<hbm>> -> memref<3584xi32, #tpu.memory_space<hbm>>
            tpu.enqueue_dma source(%dma_start3A_192 : memref<3584xi32, #tpu.memory_space<hbm>>) target(%arg8 : memref<3584xi32, #tpu.memory_space<vmem>>) target_semaphore(%arg17 : memref<!tpu.dma_semaphore, #tpu.memory_space<semaphore_mem>>)
            %dma_start3A_193 = tpu.memref_slice %arg3[%add3A_190] : memref<9633792xf32, #tpu.memory_space<hbm>> -> memref<3584xf32, #tpu.memory_space<hbm>>
            %dma_start3A_194 = tpu.memref_slice %arg3[%add3A_190] : memref<9633792xf32, #tpu.memory_space<hbm>> -> memref<3584xf32, #tpu.memory_space<hbm>>
            tpu.enqueue_dma source(%dma_start3A_194 : memref<3584xf32, #tpu.memory_space<hbm>>) target(%arg12 : memref<3584xf32, #tpu.memory_space<vmem>>) target_semaphore(%arg17 : memref<!tpu.dma_semaphore, #tpu.memory_space<semaphore_mem>>)
          } else {
          }
          %mul3A_85 = arith.constant 4 : i32
          %mul3A_86 = arith.muli %mul3A_85, %scan3A_52 : i32
          %add3A_87 = arith.constant 1 : i32
          %add3A_88 = arith.addi %mul3A_86, %add3A_87 : i32
          %mul3A_89 = arith.constant 602112 : i32
          %mul3A_90 = arith.muli %arg1, %mul3A_89 : i32
          %mul3A_91 = arith.constant 3584 : i32
          %mul3A_92 = arith.muli %add3A_88, %mul3A_91 : i32
          %add3A_93 = arith.addi %mul3A_90, %mul3A_92 : i32
          %dma_wait3A_94 = tpu.memref_slice %arg2[%add3A_93] : memref<9633792xi32, #tpu.memory_space<hbm>> -> memref<3584xi32, #tpu.memory_space<hbm>>
          %dma_wait3A_95 = tpu.memref_slice %arg2[%add3A_93] : memref<9633792xi32, #tpu.memory_space<hbm>> -> memref<3584xi32, #tpu.memory_space<hbm>>
          tpu.wait_dma2 semaphore(%arg16 : memref<!tpu.dma_semaphore, #tpu.memory_space<semaphore_mem>>) src(%dma_wait3A_95 : memref<3584xi32, #tpu.memory_space<hbm>>) dst(%arg7 : memref<3584xi32, #tpu.memory_space<vmem>>)
          %dma_wait3A_96 = tpu.memref_slice %arg3[%add3A_93] : memref<9633792xf32, #tpu.memory_space<hbm>> -> memref<3584xf32, #tpu.memory_space<hbm>>
          %dma_wait3A_97 = tpu.memref_slice %arg3[%add3A_93] : memref<9633792xf32, #tpu.memory_space<hbm>> -> memref<3584xf32, #tpu.memory_space<hbm>>
          tpu.wait_dma2 semaphore(%arg16 : memref<!tpu.dma_semaphore, #tpu.memory_space<semaphore_mem>>) src(%dma_wait3A_97 : memref<3584xf32, #tpu.memory_space<hbm>>) dst(%arg11 : memref<3584xf32, #tpu.memory_space<vmem>>)
          %scan3A_98 = arith.constant 0 : i32
          %scan3A_99 = arith.constant 0 : i32
          %scan3A_100 = arith.constant 14 : i32
          %scan3A_101 = arith.addi %scan3A_99, %scan3A_100 : i32
          %scan3A_102 = arith.constant 1 : i32
          scf.for %scan3A_184 = %scan3A_99 to %scan3A_101 step %scan3A_102  : i32 {
            %mul3A_185 = arith.constant 16 : i32
            %mul3A_186 = arith.muli %scan3A_184, %mul3A_185 : i32
            %add3A_187 = arith.constant 0 : i32
            %add3A_188 = arith.addi %mul3A_186, %add3A_187 : i32
            %mul3A_189 = arith.constant 16 : i32
            %mul3A_190 = arith.muli %add3A_188, %mul3A_189 : i32
            %get3A = arith.index_cast %mul3A_190 : i32 to index
            %get3A_191 = tpu.vector_load %arg7[%get3A] {strides = array<i32>} : memref<3584xi32, #tpu.memory_space<vmem>>, vector<16xi32>,
            %get3A_192 = vector.shape_cast %get3A_191 : vector<16xi32> to vector<16xi32>
            %sub3A = arith.subi %get3A_192, %add3A_19 : vector<16xi32>
            %bitcast3A_193 = vector.bitcast %sub3A : vector<16xi32> to vector<16xi32>
            %add3A_194 = arith.constant 0 : i32
            %add3A_195 = vector.broadcast %add3A_194 : i32 to vector<16xi32>
            %add3A_196 = arith.addi %bitcast3A, %add3A_195 : vector<16xi32>
            %min3A = arith.minui %bitcast3A_193, %add3A_196 : vector<16xi32>
            %bitcast3A_197 = vector.bitcast %min3A : vector<16xi32> to vector<16xi32>
            %mul3A_198 = arith.constant 16 : i32
            %mul3A_199 = arith.muli %add3A_188, %mul3A_198 : i32
            %swap3A = arith.index_cast %mul3A_199 : i32 to index
            %swap3A_200 = tpu.vector_load %arg7[%swap3A] {strides = array<i32>} : memref<3584xi32, #tpu.memory_space<vmem>>, vector<16xi32>,
            %swap3A_201 = vector.shape_cast %swap3A_200 : vector<16xi32> to vector<16xi32>
            %swap3A_202 = vector.shape_cast %bitcast3A_197 : vector<16xi32> to vector<16xi32>
            tpu.vector_store %arg7[%swap3A], %swap3A_202 {strides = array<i32>} : memref<3584xi32, #tpu.memory_space<vmem>>, vector<16xi32>,
            %mul3A_203 = arith.constant 16 : i32
            %mul3A_204 = arith.muli %scan3A_184, %mul3A_203 : i32
            %add3A_205 = arith.constant 1 : i32
            %add3A_206 = arith.addi %mul3A_204, %add3A_205 : i32
            %mul3A_207 = arith.constant 16 : i32
            %mul3A_208 = arith.muli %add3A_206, %mul3A_207 : i32
            %get3A_209 = arith.index_cast %mul3A_208 : i32 to index
            %get3A_210 = tpu.vector_load %arg7[%get3A_209] {strides = array<i32>} : memref<3584xi32, #tpu.memory_space<vmem>>, vector<16xi32>,
            %get3A_211 = vector.shape_cast %get3A_210 : vector<16xi32> to vector<16xi32>
            %sub3A_212 = arith.subi %get3A_211, %add3A_19 : vector<16xi32>
            %bitcast3A_213 = vector.bitcast %sub3A_212 : vector<16xi32> to vector<16xi32>
            %add3A_214 = arith.constant 1 : i32
            %add3A_215 = vector.broadcast %add3A_214 : i32 to vector<16xi32>
            %add3A_216 = arith.addi %bitcast3A, %add3A_215 : vector<16xi32>
            %min3A_217 = arith.minui %bitcast3A_213, %add3A_216 : vector<16xi32>
            %bitcast3A_218 = vector.bitcast %min3A_217 : vector<16xi32> to vector<16xi32>
            %mul3A_219 = arith.constant 16 : i32
            %mul3A_220 = arith.muli %add3A_206, %mul3A_219 : i32
            %swap3A_221 = arith.index_cast %mul3A_220 : i32 to index
            %swap3A_222 = tpu.vector_load %arg7[%swap3A_221] {strides = array<i32>} : memref<3584xi32, #tpu.memory_space<vmem>>, vector<16xi32>,
            %swap3A_223 = vector.shape_cast %swap3A_222 : vector<16xi32> to vector<16xi32>
            %swap3A_224 = vector.shape_cast %bitcast3A_218 : vector<16xi32> to vector<16xi32>
            tpu.vector_store %arg7[%swap3A_221], %swap3A_224 {strides = array<i32>} : memref<3584xi32, #tpu.memory_space<vmem>>, vector<16xi32>,
            %mul3A_225 = arith.constant 16 : i32
            %mul3A_226 = arith.muli %scan3A_184, %mul3A_225 : i32
            %add3A_227 = arith.constant 2 : i32
            %add3A_228 = arith.addi %mul3A_226, %add3A_227 : i32
            %mul3A_229 = arith.constant 16 : i32
            %mul3A_230 = arith.muli %add3A_228, %mul3A_229 : i32
            %get3A_231 = arith.index_cast %mul3A_230 : i32 to index
            %get3A_232 = tpu.vector_load %arg7[%get3A_231] {strides = array<i32>} : memref<3584xi32, #tpu.memory_space<vmem>>, vector<16xi32>,
            %get3A_233 = vector.shape_cast %get3A_232 : vector<16xi32> to vector<16xi32>
            %sub3A_234 = arith.subi %get3A_233, %add3A_19 : vector<16xi32>
            %bitcast3A_235 = vector.bitcast %sub3A_234 : vector<16xi32> to vector<16xi32>
            %add3A_236 = arith.constant 2 : i32
            %add3A_237 = vector.broadcast %add3A_236 : i32 to vector<16xi32>
            %add3A_238 = arith.addi %bitcast3A, %add3A_237 : vector<16xi32>
            %min3A_239 = arith.minui %bitcast3A_235, %add3A_238 : vector<16xi32>
            %bitcast3A_240 = vector.bitcast %min3A_239 : vector<16xi32> to vector<16xi32>
            %mul3A_241 = arith.constant 16 : i32
            %mul3A_242 = arith.muli %add3A_228, %mul3A_241 : i32
            %swap3A_243 = arith.index_cast %mul3A_242 : i32 to index
            %swap3A_244 = tpu.vector_load %arg7[%swap3A_243] {strides = array<i32>} : memref<3584xi32, #tpu.memory_space<vmem>>, vector<16xi32>,
            %swap3A_245 = vector.shape_cast %swap3A_244 : vector<16xi32> to vector<16xi32>
            %swap3A_246 = vector.shape_cast %bitcast3A_240 : vector<16xi32> to vector<16xi32>
            tpu.vector_store %arg7[%swap3A_243], %swap3A_246 {strides = array<i32>} : memref<3584xi32, #tpu.memory_space<vmem>>, vector<16xi32>,
            %mul3A_247 = arith.constant 16 : i32
            %mul3A_248 = arith.muli %scan3A_184, %mul3A_247 : i32
            %add3A_249 = arith.constant 3 : i32
            %add3A_250 = arith.addi %mul3A_248, %add3A_249 : i32
            %mul3A_251 = arith.constant 16 : i32
            %mul3A_252 = arith.muli %add3A_250, %mul3A_251 : i32
            %get3A_253 = arith.index_cast %mul3A_252 : i32 to index
            %get3A_254 = tpu.vector_load %arg7[%get3A_253] {strides = array<i32>} : memref<3584xi32, #tpu.memory_space<vmem>>, vector<16xi32>,
            %get3A_255 = vector.shape_cast %get3A_254 : vector<16xi32> to vector<16xi32>
            %sub3A_256 = arith.subi %get3A_255, %add3A_19 : vector<16xi32>
            %bitcast3A_257 = vector.bitcast %sub3A_256 : vector<16xi32> to vector<16xi32>
            %add3A_258 = arith.constant 3 : i32
            %add3A_259 = vector.broadcast %add3A_258 : i32 to vector<16xi32>
            %add3A_260 = arith.addi %bitcast3A, %add3A_259 : vector<16xi32>
            %min3A_261 = arith.minui %bitcast3A_257, %add3A_260 : vector<16xi32>
            %bitcast3A_262 = vector.bitcast %min3A_261 : vector<16xi32> to vector<16xi32>
            %mul3A_263 = arith.constant 16 : i32
            %mul3A_264 = arith.muli %add3A_250, %mul3A_263 : i32
            %swap3A_265 = arith.index_cast %mul3A_264 : i32 to index
            %swap3A_266 = tpu.vector_load %arg7[%swap3A_265] {strides = array<i32>} : memref<3584xi32, #tpu.memory_space<vmem>>, vector<16xi32>,
            %swap3A_267 = vector.shape_cast %swap3A_266 : vector<16xi32> to vector<16xi32>
            %swap3A_268 = vector.shape_cast %bitcast3A_262 : vector<16xi32> to vector<16xi32>
            tpu.vector_store %arg7[%swap3A_265], %swap3A_268 {strides = array<i32>} : memref<3584xi32, #tpu.memory_space<vmem>>, vector<16xi32>,
            %mul3A_269 = arith.constant 16 : i32
            %mul3A_270 = arith.muli %scan3A_184, %mul3A_269 : i32
            %add3A_271 = arith.constant 4 : i32
            %add3A_272 = arith.addi %mul3A_270, %add3A_271 : i32
            %mul3A_273 = arith.constant 16 : i32
            %mul3A_274 = arith.muli %add3A_272, %mul3A_273 : i32
            %get3A_275 = arith.index_cast %mul3A_274 : i32 to index
            %get3A_276 = tpu.vector_load %arg7[%get3A_275] {strides = array<i32>} : memref<3584xi32, #tpu.memory_space<vmem>>, vector<16xi32>,
            %get3A_277 = vector.shape_cast %get3A_276 : vector<16xi32> to vector<16xi32>
            %sub3A_278 = arith.subi %get3A_277, %add3A_19 : vector<16xi32>
            %bitcast3A_279 = vector.bitcast %sub3A_278 : vector<16xi32> to vector<16xi32>
            %add3A_280 = arith.constant 4 : i32
            %add3A_281 = vector.broadcast %add3A_280 : i32 to vector<16xi32>
            %add3A_282 = arith.addi %bitcast3A, %add3A_281 : vector<16xi32>
            %min3A_283 = arith.minui %bitcast3A_279, %add3A_282 : vector<16xi32>
            %bitcast3A_284 = vector.bitcast %min3A_283 : vector<16xi32> to vector<16xi32>
            %mul3A_285 = arith.constant 16 : i32
            %mul3A_286 = arith.muli %add3A_272, %mul3A_285 : i32
            %swap3A_287 = arith.index_cast %mul3A_286 : i32 to index
            %swap3A_288 = tpu.vector_load %arg7[%swap3A_287] {strides = array<i32>} : memref<3584xi32, #tpu.memory_space<vmem>>, vector<16xi32>,
            %swap3A_289 = vector.shape_cast %swap3A_288 : vector<16xi32> to vector<16xi32>
            %swap3A_290 = vector.shape_cast %bitcast3A_284 : vector<16xi32> to vector<16xi32>
            tpu.vector_store %arg7[%swap3A_287], %swap3A_290 {strides = array<i32>} : memref<3584xi32, #tpu.memory_space<vmem>>, vector<16xi32>,
            %mul3A_291 = arith.constant 16 : i32
            %mul3A_292 = arith.muli %scan3A_184, %mul3A_291 : i32
            %add3A_293 = arith.constant 5 : i32
            %add3A_294 = arith.addi %mul3A_292, %add3A_293 : i32
            %mul3A_295 = arith.constant 16 : i32
            %mul3A_296 = arith.muli %add3A_294, %mul3A_295 : i32
            %get3A_297 = arith.index_cast %mul3A_296 : i32 to index
            %get3A_298 = tpu.vector_load %arg7[%get3A_297] {strides = array<i32>} : memref<3584xi32, #tpu.memory_space<vmem>>, vector<16xi32>,
            %get3A_299 = vector.shape_cast %get3A_298 : vector<16xi32> to vector<16xi32>
            %sub3A_300 = arith.subi %get3A_299, %add3A_19 : vector<16xi32>
            %bitcast3A_301 = vector.bitcast %sub3A_300 : vector<16xi32> to vector<16xi32>
            %add3A_302 = arith.constant 5 : i32
            %add3A_303 = vector.broadcast %add3A_302 : i32 to vector<16xi32>
            %add3A_304 = arith.addi %bitcast3A, %add3A_303 : vector<16xi32>
            %min3A_305 = arith.minui %bitcast3A_301, %add3A_304 : vector<16xi32>
            %bitcast3A_306 = vector.bitcast %min3A_305 : vector<16xi32> to vector<16xi32>
            %mul3A_307 = arith.constant 16 : i32
            %mul3A_308 = arith.muli %add3A_294, %mul3A_307 : i32
            %swap3A_309 = arith.index_cast %mul3A_308 : i32 to index
            %swap3A_310 = tpu.vector_load %arg7[%swap3A_309] {strides = array<i32>} : memref<3584xi32, #tpu.memory_space<vmem>>, vector<16xi32>,
            %swap3A_311 = vector.shape_cast %swap3A_310 : vector<16xi32> to vector<16xi32>
            %swap3A_312 = vector.shape_cast %bitcast3A_306 : vector<16xi32> to vector<16xi32>
            tpu.vector_store %arg7[%swap3A_309], %swap3A_312 {strides = array<i32>} : memref<3584xi32, #tpu.memory_space<vmem>>, vector<16xi32>,
            %mul3A_313 = arith.constant 16 : i32
            %mul3A_314 = arith.muli %scan3A_184, %mul3A_313 : i32
            %add3A_315 = arith.constant 6 : i32
            %add3A_316 = arith.addi %mul3A_314, %add3A_315 : i32
            %mul3A_317 = arith.constant 16 : i32
            %mul3A_318 = arith.muli %add3A_316, %mul3A_317 : i32
            %get3A_319 = arith.index_cast %mul3A_318 : i32 to index
            %get3A_320 = tpu.vector_load %arg7[%get3A_319] {strides = array<i32>} : memref<3584xi32, #tpu.memory_space<vmem>>, vector<16xi32>,
            %get3A_321 = vector.shape_cast %get3A_320 : vector<16xi32> to vector<16xi32>
            %sub3A_322 = arith.subi %get3A_321, %add3A_19 : vector<16xi32>
            %bitcast3A_323 = vector.bitcast %sub3A_322 : vector<16xi32> to vector<16xi32>
            %add3A_324 = arith.constant 6 : i32
            %add3A_325 = vector.broadcast %add3A_324 : i32 to vector<16xi32>
            %add3A_326 = arith.addi %bitcast3A, %add3A_325 : vector<16xi32>
            %min3A_327 = arith.minui %bitcast3A_323, %add3A_326 : vector<16xi32>
            %bitcast3A_328 = vector.bitcast %min3A_327 : vector<16xi32> to vector<16xi32>
            %mul3A_329 = arith.constant 16 : i32
            %mul3A_330 = arith.muli %add3A_316, %mul3A_329 : i32
            %swap3A_331 = arith.index_cast %mul3A_330 : i32 to index
            %swap3A_332 = tpu.vector_load %arg7[%swap3A_331] {strides = array<i32>} : memref<3584xi32, #tpu.memory_space<vmem>>, vector<16xi32>,
            %swap3A_333 = vector.shape_cast %swap3A_332 : vector<16xi32> to vector<16xi32>
            %swap3A_334 = vector.shape_cast %bitcast3A_328 : vector<16xi32> to vector<16xi32>
            tpu.vector_store %arg7[%swap3A_331], %swap3A_334 {strides = array<i32>} : memref<3584xi32, #tpu.memory_space<vmem>>, vector<16xi32>,
            %mul3A_335 = arith.constant 16 : i32
            %mul3A_336 = arith.muli %scan3A_184, %mul3A_335 : i32
            %add3A_337 = arith.constant 7 : i32
            %add3A_338 = arith.addi %mul3A_336, %add3A_337 : i32
            %mul3A_339 = arith.constant 16 : i32
            %mul3A_340 = arith.muli %add3A_338, %mul3A_339 : i32
            %get3A_341 = arith.index_cast %mul3A_340 : i32 to index
            %get3A_342 = tpu.vector_load %arg7[%get3A_341] {strides = array<i32>} : memref<3584xi32, #tpu.memory_space<vmem>>, vector<16xi32>,
            %get3A_343 = vector.shape_cast %get3A_342 : vector<16xi32> to vector<16xi32>
            %sub3A_344 = arith.subi %get3A_343, %add3A_19 : vector<16xi32>
            %bitcast3A_345 = vector.bitcast %sub3A_344 : vector<16xi32> to vector<16xi32>
            %add3A_346 = arith.constant 7 : i32
            %add3A_347 = vector.broadcast %add3A_346 : i32 to vector<16xi32>
            %add3A_348 = arith.addi %bitcast3A, %add3A_347 : vector<16xi32>
            %min3A_349 = arith.minui %bitcast3A_345, %add3A_348 : vector<16xi32>
            %bitcast3A_350 = vector.bitcast %min3A_349 : vector<16xi32> to vector<16xi32>
            %mul3A_351 = arith.constant 16 : i32
            %mul3A_352 = arith.muli %add3A_338, %mul3A_351 : i32
            %swap3A_353 = arith.index_cast %mul3A_352 : i32 to index
            %swap3A_354 = tpu.vector_load %arg7[%swap3A_353] {strides = array<i32>} : memref<3584xi32, #tpu.memory_space<vmem>>, vector<16xi32>,
            %swap3A_355 = vector.shape_cast %swap3A_354 : vector<16xi32> to vector<16xi32>
            %swap3A_356 = vector.shape_cast %bitcast3A_350 : vector<16xi32> to vector<16xi32>
            tpu.vector_store %arg7[%swap3A_353], %swap3A_356 {strides = array<i32>} : memref<3584xi32, #tpu.memory_space<vmem>>, vector<16xi32>,
            %mul3A_357 = arith.constant 16 : i32
            %mul3A_358 = arith.muli %scan3A_184, %mul3A_357 : i32
            %add3A_359 = arith.constant 8 : i32
            %add3A_360 = arith.addi %mul3A_358, %add3A_359 : i32
            %mul3A_361 = arith.constant 16 : i32
            %mul3A_362 = arith.muli %add3A_360, %mul3A_361 : i32
            %get3A_363 = arith.index_cast %mul3A_362 : i32 to index
            %get3A_364 = tpu.vector_load %arg7[%get3A_363] {strides = array<i32>} : memref<3584xi32, #tpu.memory_space<vmem>>, vector<16xi32>,
            %get3A_365 = vector.shape_cast %get3A_364 : vector<16xi32> to vector<16xi32>
            %sub3A_366 = arith.subi %get3A_365, %add3A_19 : vector<16xi32>
            %bitcast3A_367 = vector.bitcast %sub3A_366 : vector<16xi32> to vector<16xi32>
            %add3A_368 = arith.constant 8 : i32
            %add3A_369 = vector.broadcast %add3A_368 : i32 to vector<16xi32>
            %add3A_370 = arith.addi %bitcast3A, %add3A_369 : vector<16xi32>
            %min3A_371 = arith.minui %bitcast3A_367, %add3A_370 : vector<16xi32>
            %bitcast3A_372 = vector.bitcast %min3A_371 : vector<16xi32> to vector<16xi32>
            %mul3A_373 = arith.constant 16 : i32
            %mul3A_374 = arith.muli %add3A_360, %mul3A_373 : i32
            %swap3A_375 = arith.index_cast %mul3A_374 : i32 to index
            %swap3A_376 = tpu.vector_load %arg7[%swap3A_375] {strides = array<i32>} : memref<3584xi32, #tpu.memory_space<vmem>>, vector<16xi32>,
            %swap3A_377 = vector.shape_cast %swap3A_376 : vector<16xi32> to vector<16xi32>
            %swap3A_378 = vector.shape_cast %bitcast3A_372 : vector<16xi32> to vector<16xi32>
            tpu.vector_store %arg7[%swap3A_375], %swap3A_378 {strides = array<i32>} : memref<3584xi32, #tpu.memory_space<vmem>>, vector<16xi32>,
            %mul3A_379 = arith.constant 16 : i32
            %mul3A_380 = arith.muli %scan3A_184, %mul3A_379 : i32
            %add3A_381 = arith.constant 9 : i32
            %add3A_382 = arith.addi %mul3A_380, %add3A_381 : i32
            %mul3A_383 = arith.constant 16 : i32
            %mul3A_384 = arith.muli %add3A_382, %mul3A_383 : i32
            %get3A_385 = arith.index_cast %mul3A_384 : i32 to index
            %get3A_386 = tpu.vector_load %arg7[%get3A_385] {strides = array<i32>} : memref<3584xi32, #tpu.memory_space<vmem>>, vector<16xi32>,
            %get3A_387 = vector.shape_cast %get3A_386 : vector<16xi32> to vector<16xi32>
            %sub3A_388 = arith.subi %get3A_387, %add3A_19 : vector<16xi32>
            %bitcast3A_389 = vector.bitcast %sub3A_388 : vector<16xi32> to vector<16xi32>
            %add3A_390 = arith.constant 9 : i32
            %add3A_391 = vector.broadcast %add3A_390 : i32 to vector<16xi32>
            %add3A_392 = arith.addi %bitcast3A, %add3A_391 : vector<16xi32>
            %min3A_393 = arith.minui %bitcast3A_389, %add3A_392 : vector<16xi32>
            %bitcast3A_394 = vector.bitcast %min3A_393 : vector<16xi32> to vector<16xi32>
            %mul3A_395 = arith.constant 16 : i32
            %mul3A_396 = arith.muli %add3A_382, %mul3A_395 : i32
            %swap3A_397 = arith.index_cast %mul3A_396 : i32 to index
            %swap3A_398 = tpu.vector_load %arg7[%swap3A_397] {strides = array<i32>} : memref<3584xi32, #tpu.memory_space<vmem>>, vector<16xi32>,
            %swap3A_399 = vector.shape_cast %swap3A_398 : vector<16xi32> to vector<16xi32>
            %swap3A_400 = vector.shape_cast %bitcast3A_394 : vector<16xi32> to vector<16xi32>
            tpu.vector_store %arg7[%swap3A_397], %swap3A_400 {strides = array<i32>} : memref<3584xi32, #tpu.memory_space<vmem>>, vector<16xi32>,
            %mul3A_401 = arith.constant 16 : i32
            %mul3A_402 = arith.muli %scan3A_184, %mul3A_401 : i32
            %add3A_403 = arith.constant 10 : i32
            %add3A_404 = arith.addi %mul3A_402, %add3A_403 : i32
            %mul3A_405 = arith.constant 16 : i32
            %mul3A_406 = arith.muli %add3A_404, %mul3A_405 : i32
            %get3A_407 = arith.index_cast %mul3A_406 : i32 to index
            %get3A_408 = tpu.vector_load %arg7[%get3A_407] {strides = array<i32>} : memref<3584xi32, #tpu.memory_space<vmem>>, vector<16xi32>,
            %get3A_409 = vector.shape_cast %get3A_408 : vector<16xi32> to vector<16xi32>
            %sub3A_410 = arith.subi %get3A_409, %add3A_19 : vector<16xi32>
            %bitcast3A_411 = vector.bitcast %sub3A_410 : vector<16xi32> to vector<16xi32>
            %add3A_412 = arith.constant 10 : i32
            %add3A_413 = vector.broadcast %add3A_412 : i32 to vector<16xi32>
            %add3A_414 = arith.addi %bitcast3A, %add3A_413 : vector<16xi32>
            %min3A_415 = arith.minui %bitcast3A_411, %add3A_414 : vector<16xi32>
            %bitcast3A_416 = vector.bitcast %min3A_415 : vector<16xi32> to vector<16xi32>
            %mul3A_417 = arith.constant 16 : i32
            %mul3A_418 = arith.muli %add3A_404, %mul3A_417 : i32
            %swap3A_419 = arith.index_cast %mul3A_418 : i32 to index
            %swap3A_420 = tpu.vector_load %arg7[%swap3A_419] {strides = array<i32>} : memref<3584xi32, #tpu.memory_space<vmem>>, vector<16xi32>,
            %swap3A_421 = vector.shape_cast %swap3A_420 : vector<16xi32> to vector<16xi32>
            %swap3A_422 = vector.shape_cast %bitcast3A_416 : vector<16xi32> to vector<16xi32>
            tpu.vector_store %arg7[%swap3A_419], %swap3A_422 {strides = array<i32>} : memref<3584xi32, #tpu.memory_space<vmem>>, vector<16xi32>,
            %mul3A_423 = arith.constant 16 : i32
            %mul3A_424 = arith.muli %scan3A_184, %mul3A_423 : i32
            %add3A_425 = arith.constant 11 : i32
            %add3A_426 = arith.addi %mul3A_424, %add3A_425 : i32
            %mul3A_427 = arith.constant 16 : i32
            %mul3A_428 = arith.muli %add3A_426, %mul3A_427 : i32
            %get3A_429 = arith.index_cast %mul3A_428 : i32 to index
            %get3A_430 = tpu.vector_load %arg7[%get3A_429] {strides = array<i32>} : memref<3584xi32, #tpu.memory_space<vmem>>, vector<16xi32>,
            %get3A_431 = vector.shape_cast %get3A_430 : vector<16xi32> to vector<16xi32>
            %sub3A_432 = arith.subi %get3A_431, %add3A_19 : vector<16xi32>
            %bitcast3A_433 = vector.bitcast %sub3A_432 : vector<16xi32> to vector<16xi32>
            %add3A_434 = arith.constant 11 : i32
            %add3A_435 = vector.broadcast %add3A_434 : i32 to vector<16xi32>
            %add3A_436 = arith.addi %bitcast3A, %add3A_435 : vector<16xi32>
            %min3A_437 = arith.minui %bitcast3A_433, %add3A_436 : vector<16xi32>
            %bitcast3A_438 = vector.bitcast %min3A_437 : vector<16xi32> to vector<16xi32>
            %mul3A_439 = arith.constant 16 : i32
            %mul3A_440 = arith.muli %add3A_426, %mul3A_439 : i32
            %swap3A_441 = arith.index_cast %mul3A_440 : i32 to index
            %swap3A_442 = tpu.vector_load %arg7[%swap3A_441] {strides = array<i32>} : memref<3584xi32, #tpu.memory_space<vmem>>, vector<16xi32>,
            %swap3A_443 = vector.shape_cast %swap3A_442 : vector<16xi32> to vector<16xi32>
            %swap3A_444 = vector.shape_cast %bitcast3A_438 : vector<16xi32> to vector<16xi32>
            tpu.vector_store %arg7[%swap3A_441], %swap3A_444 {strides = array<i32>} : memref<3584xi32, #tpu.memory_space<vmem>>, vector<16xi32>,
            %mul3A_445 = arith.constant 16 : i32
            %mul3A_446 = arith.muli %scan3A_184, %mul3A_445 : i32
            %add3A_447 = arith.constant 12 : i32
            %add3A_448 = arith.addi %mul3A_446, %add3A_447 : i32
            %mul3A_449 = arith.constant 16 : i32
            %mul3A_450 = arith.muli %add3A_448, %mul3A_449 : i32
            %get3A_451 = arith.index_cast %mul3A_450 : i32 to index
            %get3A_452 = tpu.vector_load %arg7[%get3A_451] {strides = array<i32>} : memref<3584xi32, #tpu.memory_space<vmem>>, vector<16xi32>,
            %get3A_453 = vector.shape_cast %get3A_452 : vector<16xi32> to vector<16xi32>
            %sub3A_454 = arith.subi %get3A_453, %add3A_19 : vector<16xi32>
            %bitcast3A_455 = vector.bitcast %sub3A_454 : vector<16xi32> to vector<16xi32>
            %add3A_456 = arith.constant 12 : i32
            %add3A_457 = vector.broadcast %add3A_456 : i32 to vector<16xi32>
            %add3A_458 = arith.addi %bitcast3A, %add3A_457 : vector<16xi32>
            %min3A_459 = arith.minui %bitcast3A_455, %add3A_458 : vector<16xi32>
            %bitcast3A_460 = vector.bitcast %min3A_459 : vector<16xi32> to vector<16xi32>
            %mul3A_461 = arith.constant 16 : i32
            %mul3A_462 = arith.muli %add3A_448, %mul3A_461 : i32
            %swap3A_463 = arith.index_cast %mul3A_462 : i32 to index
            %swap3A_464 = tpu.vector_load %arg7[%swap3A_463] {strides = array<i32>} : memref<3584xi32, #tpu.memory_space<vmem>>, vector<16xi32>,
            %swap3A_465 = vector.shape_cast %swap3A_464 : vector<16xi32> to vector<16xi32>
            %swap3A_466 = vector.shape_cast %bitcast3A_460 : vector<16xi32> to vector<16xi32>
            tpu.vector_store %arg7[%swap3A_463], %swap3A_466 {strides = array<i32>} : memref<3584xi32, #tpu.memory_space<vmem>>, vector<16xi32>,
            %mul3A_467 = arith.constant 16 : i32
            %mul3A_468 = arith.muli %scan3A_184, %mul3A_467 : i32
            %add3A_469 = arith.constant 13 : i32
            %add3A_470 = arith.addi %mul3A_468, %add3A_469 : i32
            %mul3A_471 = arith.constant 16 : i32
            %mul3A_472 = arith.muli %add3A_470, %mul3A_471 : i32
            %get3A_473 = arith.index_cast %mul3A_472 : i32 to index
            %get3A_474 = tpu.vector_load %arg7[%get3A_473] {strides = array<i32>} : memref<3584xi32, #tpu.memory_space<vmem>>, vector<16xi32>,
            %get3A_475 = vector.shape_cast %get3A_474 : vector<16xi32> to vector<16xi32>
            %sub3A_476 = arith.subi %get3A_475, %add3A_19 : vector<16xi32>
            %bitcast3A_477 = vector.bitcast %sub3A_476 : vector<16xi32> to vector<16xi32>
            %add3A_478 = arith.constant 13 : i32
            %add3A_479 = vector.broadcast %add3A_478 : i32 to vector<16xi32>
            %add3A_480 = arith.addi %bitcast3A, %add3A_479 : vector<16xi32>
            %min3A_481 = arith.minui %bitcast3A_477, %add3A_480 : vector<16xi32>
            %bitcast3A_482 = vector.bitcast %min3A_481 : vector<16xi32> to vector<16xi32>
            %mul3A_483 = arith.constant 16 : i32
            %mul3A_484 = arith.muli %add3A_470, %mul3A_483 : i32
            %swap3A_485 = arith.index_cast %mul3A_484 : i32 to index
            %swap3A_486 = tpu.vector_load %arg7[%swap3A_485] {strides = array<i32>} : memref<3584xi32, #tpu.memory_space<vmem>>, vector<16xi32>,
            %swap3A_487 = vector.shape_cast %swap3A_486 : vector<16xi32> to vector<16xi32>
            %swap3A_488 = vector.shape_cast %bitcast3A_482 : vector<16xi32> to vector<16xi32>
            tpu.vector_store %arg7[%swap3A_485], %swap3A_488 {strides = array<i32>} : memref<3584xi32, #tpu.memory_space<vmem>>, vector<16xi32>,
            %mul3A_489 = arith.constant 16 : i32
            %mul3A_490 = arith.muli %scan3A_184, %mul3A_489 : i32
            %add3A_491 = arith.constant 14 : i32
            %add3A_492 = arith.addi %mul3A_490, %add3A_491 : i32
            %mul3A_493 = arith.constant 16 : i32
            %mul3A_494 = arith.muli %add3A_492, %mul3A_493 : i32
            %get3A_495 = arith.index_cast %mul3A_494 : i32 to index
            %get3A_496 = tpu.vector_load %arg7[%get3A_495] {strides = array<i32>} : memref<3584xi32, #tpu.memory_space<vmem>>, vector<16xi32>,
            %get3A_497 = vector.shape_cast %get3A_496 : vector<16xi32> to vector<16xi32>
            %sub3A_498 = arith.subi %get3A_497, %add3A_19 : vector<16xi32>
            %bitcast3A_499 = vector.bitcast %sub3A_498 : vector<16xi32> to vector<16xi32>
            %add3A_500 = arith.constant 14 : i32
            %add3A_501 = vector.broadcast %add3A_500 : i32 to vector<16xi32>
            %add3A_502 = arith.addi %bitcast3A, %add3A_501 : vector<16xi32>
            %min3A_503 = arith.minui %bitcast3A_499, %add3A_502 : vector<16xi32>
            %bitcast3A_504 = vector.bitcast %min3A_503 : vector<16xi32> to vector<16xi32>
            %mul3A_505 = arith.constant 16 : i32
            %mul3A_506 = arith.muli %add3A_492, %mul3A_505 : i32
            %swap3A_507 = arith.index_cast %mul3A_506 : i32 to index
            %swap3A_508 = tpu.vector_load %arg7[%swap3A_507] {strides = array<i32>} : memref<3584xi32, #tpu.memory_space<vmem>>, vector<16xi32>,
            %swap3A_509 = vector.shape_cast %swap3A_508 : vector<16xi32> to vector<16xi32>
            %swap3A_510 = vector.shape_cast %bitcast3A_504 : vector<16xi32> to vector<16xi32>
            tpu.vector_store %arg7[%swap3A_507], %swap3A_510 {strides = array<i32>} : memref<3584xi32, #tpu.memory_space<vmem>>, vector<16xi32>,
            %mul3A_511 = arith.constant 16 : i32
            %mul3A_512 = arith.muli %scan3A_184, %mul3A_511 : i32
            %add3A_513 = arith.constant 15 : i32
            %add3A_514 = arith.addi %mul3A_512, %add3A_513 : i32
            %mul3A_515 = arith.constant 16 : i32
            %mul3A_516 = arith.muli %add3A_514, %mul3A_515 : i32
            %get3A_517 = arith.index_cast %mul3A_516 : i32 to index
            %get3A_518 = tpu.vector_load %arg7[%get3A_517] {strides = array<i32>} : memref<3584xi32, #tpu.memory_space<vmem>>, vector<16xi32>,
            %get3A_519 = vector.shape_cast %get3A_518 : vector<16xi32> to vector<16xi32>
            %sub3A_520 = arith.subi %get3A_519, %add3A_19 : vector<16xi32>
            %bitcast3A_521 = vector.bitcast %sub3A_520 : vector<16xi32> to vector<16xi32>
            %add3A_522 = arith.constant 15 : i32
            %add3A_523 = vector.broadcast %add3A_522 : i32 to vector<16xi32>
            %add3A_524 = arith.addi %bitcast3A, %add3A_523 : vector<16xi32>
            %min3A_525 = arith.minui %bitcast3A_521, %add3A_524 : vector<16xi32>
            %bitcast3A_526 = vector.bitcast %min3A_525 : vector<16xi32> to vector<16xi32>
            %mul3A_527 = arith.constant 16 : i32
            %mul3A_528 = arith.muli %add3A_514, %mul3A_527 : i32
            %swap3A_529 = arith.index_cast %mul3A_528 : i32 to index
            %swap3A_530 = tpu.vector_load %arg7[%swap3A_529] {strides = array<i32>} : memref<3584xi32, #tpu.memory_space<vmem>>, vector<16xi32>,
            %swap3A_531 = vector.shape_cast %swap3A_530 : vector<16xi32> to vector<16xi32>
            %swap3A_532 = vector.shape_cast %bitcast3A_526 : vector<16xi32> to vector<16xi32>
            tpu.vector_store %arg7[%swap3A_529], %swap3A_532 {strides = array<i32>} : memref<3584xi32, #tpu.memory_space<vmem>>, vector<16xi32>,
          }
          %scan3A_103 = arith.constant 14 : i32
          %dma_start3A_104 = arith.constant 0 : i32
          %dma_start3A_105 = tpu.memref_slice %arg14[%dma_start3A_104] : memref<1605888xf32, #tpu.memory_space<vmem_shared>> -> memref<1605888xf32, #tpu.memory_space<vmem_shared>>
          tpu.enqueue_indirect_dma source(%arg11 : memref<3584xf32, #tpu.memory_space<vmem>>) target(%dma_start3A_105 : memref<1605888xf32, #tpu.memory_space<vmem_shared>>) offsets(%arg7 : memref<3584xi32, #tpu.memory_space<vmem>>) semaphore(%arg20 : memref<!tpu.dma_semaphore, #tpu.memory_space<semaphore_mem>>) {add = true}
          %ge3A_106 = arith.constant 2 : i32
          %ge3A_107 = arith.cmpi sge, %add3A_88, %ge3A_106 : i32
          %convert_element_type3A_108 = arith.extui %ge3A_107 : i1 to i32
          %cond3A_109 = arith.constant 0 : i32
          %cond3A_110 = arith.cmpi ne, %convert_element_type3A_108, %cond3A_109 : i32
          scf.if %cond3A_110 {
            %dma_wait3A_184 = arith.constant 0 : i32
            %dma_wait3A_185 = tpu.memref_slice %arg14[%dma_wait3A_184] : memref<1605888xf32, #tpu.memory_space<vmem_shared>> -> memref<1605888xf32, #tpu.memory_space<vmem_shared>>
            tpu.wait_indirect_dma semaphore(%arg22 : memref<!tpu.dma_semaphore, #tpu.memory_space<semaphore_mem>>) src(%arg13 : memref<3584xf32, #tpu.memory_space<vmem>>) dst(%dma_wait3A_185 : memref<1605888xf32, #tpu.memory_space<vmem_shared>>)
          } else {
          }
          %add3A_111 = arith.constant 2 : i32
          %add3A_112 = arith.addi %add3A_88, %add3A_111 : i32
          %lt3A_113 = arith.constant 168 : i32
          %lt3A_114 = arith.cmpi slt, %add3A_112, %lt3A_113 : i32
          %convert_element_type3A_115 = arith.extui %lt3A_114 : i1 to i32
          %cond3A_116 = arith.constant 0 : i32
          %cond3A_117 = arith.cmpi ne, %convert_element_type3A_115, %cond3A_116 : i32
          scf.if %cond3A_117 {
            %add3A_184 = arith.constant 2 : i32
            %add3A_185 = arith.addi %add3A_88, %add3A_184 : i32
            %mul3A_186 = arith.constant 602112 : i32
            %mul3A_187 = arith.muli %arg1, %mul3A_186 : i32
            %mul3A_188 = arith.constant 3584 : i32
            %mul3A_189 = arith.muli %add3A_185, %mul3A_188 : i32
            %add3A_190 = arith.addi %mul3A_187, %mul3A_189 : i32
            %dma_start3A_191 = tpu.memref_slice %arg2[%add3A_190] : memref<9633792xi32, #tpu.memory_space<hbm>> -> memref<3584xi32, #tpu.memory_space<hbm>>
            %dma_start3A_192 = tpu.memref_slice %arg2[%add3A_190] : memref<9633792xi32, #tpu.memory_space<hbm>> -> memref<3584xi32, #tpu.memory_space<hbm>>
            tpu.enqueue_dma source(%dma_start3A_192 : memref<3584xi32, #tpu.memory_space<hbm>>) target(%arg9 : memref<3584xi32, #tpu.memory_space<vmem>>) target_semaphore(%arg18 : memref<!tpu.dma_semaphore, #tpu.memory_space<semaphore_mem>>)
            %dma_start3A_193 = tpu.memref_slice %arg3[%add3A_190] : memref<9633792xf32, #tpu.memory_space<hbm>> -> memref<3584xf32, #tpu.memory_space<hbm>>
            %dma_start3A_194 = tpu.memref_slice %arg3[%add3A_190] : memref<9633792xf32, #tpu.memory_space<hbm>> -> memref<3584xf32, #tpu.memory_space<hbm>>
            tpu.enqueue_dma source(%dma_start3A_194 : memref<3584xf32, #tpu.memory_space<hbm>>) target(%arg13 : memref<3584xf32, #tpu.memory_space<vmem>>) target_semaphore(%arg18 : memref<!tpu.dma_semaphore, #tpu.memory_space<semaphore_mem>>)
          } else {
          }
          %mul3A_118 = arith.constant 4 : i32
          %mul3A_119 = arith.muli %mul3A_118, %scan3A_52 : i32
          %add3A_120 = arith.constant 2 : i32
          %add3A_121 = arith.addi %mul3A_119, %add3A_120 : i32
          %mul3A_122 = arith.constant 602112 : i32
          %mul3A_123 = arith.muli %arg1, %mul3A_122 : i32
          %mul3A_124 = arith.constant 3584 : i32
          %mul3A_125 = arith.muli %add3A_121, %mul3A_124 : i32
          %add3A_126 = arith.addi %mul3A_123, %mul3A_125 : i32
          %dma_wait3A_127 = tpu.memref_slice %arg2[%add3A_126] : memref<9633792xi32, #tpu.memory_space<hbm>> -> memref<3584xi32, #tpu.memory_space<hbm>>
          %dma_wait3A_128 = tpu.memref_slice %arg2[%add3A_126] : memref<9633792xi32, #tpu.memory_space<hbm>> -> memref<3584xi32, #tpu.memory_space<hbm>>
          tpu.wait_dma2 semaphore(%arg17 : memref<!tpu.dma_semaphore, #tpu.memory_space<semaphore_mem>>) src(%dma_wait3A_128 : memref<3584xi32, #tpu.memory_space<hbm>>) dst(%arg8 : memref<3584xi32, #tpu.memory_space<vmem>>)
          %dma_wait3A_129 = tpu.memref_slice %arg3[%add3A_126] : memref<9633792xf32, #tpu.memory_space<hbm>> -> memref<3584xf32, #tpu.memory_space<hbm>>
          %dma_wait3A_130 = tpu.memref_slice %arg3[%add3A_126] : memref<9633792xf32, #tpu.memory_space<hbm>> -> memref<3584xf32, #tpu.memory_space<hbm>>
          tpu.wait_dma2 semaphore(%arg17 : memref<!tpu.dma_semaphore, #tpu.memory_space<semaphore_mem>>) src(%dma_wait3A_130 : memref<3584xf32, #tpu.memory_space<hbm>>) dst(%arg12 : memref<3584xf32, #tpu.memory_space<vmem>>)
          %scan3A_131 = arith.constant 0 : i32
          %scan3A_132 = arith.constant 0 : i32
          %scan3A_133 = arith.constant 14 : i32
          %scan3A_134 = arith.addi %scan3A_132, %scan3A_133 : i32
          %scan3A_135 = arith.constant 1 : i32
          scf.for %scan3A_184 = %scan3A_132 to %scan3A_134 step %scan3A_135  : i32 {
            %mul3A_185 = arith.constant 16 : i32
            %mul3A_186 = arith.muli %scan3A_184, %mul3A_185 : i32
            %add3A_187 = arith.constant 0 : i32
            %add3A_188 = arith.addi %mul3A_186, %add3A_187 : i32
            %mul3A_189 = arith.constant 16 : i32
            %mul3A_190 = arith.muli %add3A_188, %mul3A_189 : i32
            %get3A = arith.index_cast %mul3A_190 : i32 to index
            %get3A_191 = tpu.vector_load %arg8[%get3A] {strides = array<i32>} : memref<3584xi32, #tpu.memory_space<vmem>>, vector<16xi32>,
            %get3A_192 = vector.shape_cast %get3A_191 : vector<16xi32> to vector<16xi32>
            %sub3A = arith.subi %get3A_192, %add3A_19 : vector<16xi32>
            %bitcast3A_193 = vector.bitcast %sub3A : vector<16xi32> to vector<16xi32>
            %add3A_194 = arith.constant 0 : i32
            %add3A_195 = vector.broadcast %add3A_194 : i32 to vector<16xi32>
            %add3A_196 = arith.addi %bitcast3A, %add3A_195 : vector<16xi32>
            %min3A = arith.minui %bitcast3A_193, %add3A_196 : vector<16xi32>
            %bitcast3A_197 = vector.bitcast %min3A : vector<16xi32> to vector<16xi32>
            %mul3A_198 = arith.constant 16 : i32
            %mul3A_199 = arith.muli %add3A_188, %mul3A_198 : i32
            %swap3A = arith.index_cast %mul3A_199 : i32 to index
            %swap3A_200 = tpu.vector_load %arg8[%swap3A] {strides = array<i32>} : memref<3584xi32, #tpu.memory_space<vmem>>, vector<16xi32>,
            %swap3A_201 = vector.shape_cast %swap3A_200 : vector<16xi32> to vector<16xi32>
            %swap3A_202 = vector.shape_cast %bitcast3A_197 : vector<16xi32> to vector<16xi32>
            tpu.vector_store %arg8[%swap3A], %swap3A_202 {strides = array<i32>} : memref<3584xi32, #tpu.memory_space<vmem>>, vector<16xi32>,
            %mul3A_203 = arith.constant 16 : i32
            %mul3A_204 = arith.muli %scan3A_184, %mul3A_203 : i32
            %add3A_205 = arith.constant 1 : i32
            %add3A_206 = arith.addi %mul3A_204, %add3A_205 : i32
            %mul3A_207 = arith.constant 16 : i32
            %mul3A_208 = arith.muli %add3A_206, %mul3A_207 : i32
            %get3A_209 = arith.index_cast %mul3A_208 : i32 to index
            %get3A_210 = tpu.vector_load %arg8[%get3A_209] {strides = array<i32>} : memref<3584xi32, #tpu.memory_space<vmem>>, vector<16xi32>,
            %get3A_211 = vector.shape_cast %get3A_210 : vector<16xi32> to vector<16xi32>
            %sub3A_212 = arith.subi %get3A_211, %add3A_19 : vector<16xi32>
            %bitcast3A_213 = vector.bitcast %sub3A_212 : vector<16xi32> to vector<16xi32>
            %add3A_214 = arith.constant 1 : i32
            %add3A_215 = vector.broadcast %add3A_214 : i32 to vector<16xi32>
            %add3A_216 = arith.addi %bitcast3A, %add3A_215 : vector<16xi32>
            %min3A_217 = arith.minui %bitcast3A_213, %add3A_216 : vector<16xi32>
            %bitcast3A_218 = vector.bitcast %min3A_217 : vector<16xi32> to vector<16xi32>
            %mul3A_219 = arith.constant 16 : i32
            %mul3A_220 = arith.muli %add3A_206, %mul3A_219 : i32
            %swap3A_221 = arith.index_cast %mul3A_220 : i32 to index
            %swap3A_222 = tpu.vector_load %arg8[%swap3A_221] {strides = array<i32>} : memref<3584xi32, #tpu.memory_space<vmem>>, vector<16xi32>,
            %swap3A_223 = vector.shape_cast %swap3A_222 : vector<16xi32> to vector<16xi32>
            %swap3A_224 = vector.shape_cast %bitcast3A_218 : vector<16xi32> to vector<16xi32>
            tpu.vector_store %arg8[%swap3A_221], %swap3A_224 {strides = array<i32>} : memref<3584xi32, #tpu.memory_space<vmem>>, vector<16xi32>,
            %mul3A_225 = arith.constant 16 : i32
            %mul3A_226 = arith.muli %scan3A_184, %mul3A_225 : i32
            %add3A_227 = arith.constant 2 : i32
            %add3A_228 = arith.addi %mul3A_226, %add3A_227 : i32
            %mul3A_229 = arith.constant 16 : i32
            %mul3A_230 = arith.muli %add3A_228, %mul3A_229 : i32
            %get3A_231 = arith.index_cast %mul3A_230 : i32 to index
            %get3A_232 = tpu.vector_load %arg8[%get3A_231] {strides = array<i32>} : memref<3584xi32, #tpu.memory_space<vmem>>, vector<16xi32>,
            %get3A_233 = vector.shape_cast %get3A_232 : vector<16xi32> to vector<16xi32>
            %sub3A_234 = arith.subi %get3A_233, %add3A_19 : vector<16xi32>
            %bitcast3A_235 = vector.bitcast %sub3A_234 : vector<16xi32> to vector<16xi32>
            %add3A_236 = arith.constant 2 : i32
            %add3A_237 = vector.broadcast %add3A_236 : i32 to vector<16xi32>
            %add3A_238 = arith.addi %bitcast3A, %add3A_237 : vector<16xi32>
            %min3A_239 = arith.minui %bitcast3A_235, %add3A_238 : vector<16xi32>
            %bitcast3A_240 = vector.bitcast %min3A_239 : vector<16xi32> to vector<16xi32>
            %mul3A_241 = arith.constant 16 : i32
            %mul3A_242 = arith.muli %add3A_228, %mul3A_241 : i32
            %swap3A_243 = arith.index_cast %mul3A_242 : i32 to index
            %swap3A_244 = tpu.vector_load %arg8[%swap3A_243] {strides = array<i32>} : memref<3584xi32, #tpu.memory_space<vmem>>, vector<16xi32>,
            %swap3A_245 = vector.shape_cast %swap3A_244 : vector<16xi32> to vector<16xi32>
            %swap3A_246 = vector.shape_cast %bitcast3A_240 : vector<16xi32> to vector<16xi32>
            tpu.vector_store %arg8[%swap3A_243], %swap3A_246 {strides = array<i32>} : memref<3584xi32, #tpu.memory_space<vmem>>, vector<16xi32>,
            %mul3A_247 = arith.constant 16 : i32
            %mul3A_248 = arith.muli %scan3A_184, %mul3A_247 : i32
            %add3A_249 = arith.constant 3 : i32
            %add3A_250 = arith.addi %mul3A_248, %add3A_249 : i32
            %mul3A_251 = arith.constant 16 : i32
            %mul3A_252 = arith.muli %add3A_250, %mul3A_251 : i32
            %get3A_253 = arith.index_cast %mul3A_252 : i32 to index
            %get3A_254 = tpu.vector_load %arg8[%get3A_253] {strides = array<i32>} : memref<3584xi32, #tpu.memory_space<vmem>>, vector<16xi32>,
            %get3A_255 = vector.shape_cast %get3A_254 : vector<16xi32> to vector<16xi32>
            %sub3A_256 = arith.subi %get3A_255, %add3A_19 : vector<16xi32>
            %bitcast3A_257 = vector.bitcast %sub3A_256 : vector<16xi32> to vector<16xi32>
            %add3A_258 = arith.constant 3 : i32
            %add3A_259 = vector.broadcast %add3A_258 : i32 to vector<16xi32>
            %add3A_260 = arith.addi %bitcast3A, %add3A_259 : vector<16xi32>
            %min3A_261 = arith.minui %bitcast3A_257, %add3A_260 : vector<16xi32>
            %bitcast3A_262 = vector.bitcast %min3A_261 : vector<16xi32> to vector<16xi32>
            %mul3A_263 = arith.constant 16 : i32
            %mul3A_264 = arith.muli %add3A_250, %mul3A_263 : i32
            %swap3A_265 = arith.index_cast %mul3A_264 : i32 to index
            %swap3A_266 = tpu.vector_load %arg8[%swap3A_265] {strides = array<i32>} : memref<3584xi32, #tpu.memory_space<vmem>>, vector<16xi32>,
            %swap3A_267 = vector.shape_cast %swap3A_266 : vector<16xi32> to vector<16xi32>
            %swap3A_268 = vector.shape_cast %bitcast3A_262 : vector<16xi32> to vector<16xi32>
            tpu.vector_store %arg8[%swap3A_265], %swap3A_268 {strides = array<i32>} : memref<3584xi32, #tpu.memory_space<vmem>>, vector<16xi32>,
            %mul3A_269 = arith.constant 16 : i32
            %mul3A_270 = arith.muli %scan3A_184, %mul3A_269 : i32
            %add3A_271 = arith.constant 4 : i32
            %add3A_272 = arith.addi %mul3A_270, %add3A_271 : i32
            %mul3A_273 = arith.constant 16 : i32
            %mul3A_274 = arith.muli %add3A_272, %mul3A_273 : i32
            %get3A_275 = arith.index_cast %mul3A_274 : i32 to index
            %get3A_276 = tpu.vector_load %arg8[%get3A_275] {strides = array<i32>} : memref<3584xi32, #tpu.memory_space<vmem>>, vector<16xi32>,
            %get3A_277 = vector.shape_cast %get3A_276 : vector<16xi32> to vector<16xi32>
            %sub3A_278 = arith.subi %get3A_277, %add3A_19 : vector<16xi32>
            %bitcast3A_279 = vector.bitcast %sub3A_278 : vector<16xi32> to vector<16xi32>
            %add3A_280 = arith.constant 4 : i32
            %add3A_281 = vector.broadcast %add3A_280 : i32 to vector<16xi32>
            %add3A_282 = arith.addi %bitcast3A, %add3A_281 : vector<16xi32>
            %min3A_283 = arith.minui %bitcast3A_279, %add3A_282 : vector<16xi32>
            %bitcast3A_284 = vector.bitcast %min3A_283 : vector<16xi32> to vector<16xi32>
            %mul3A_285 = arith.constant 16 : i32
            %mul3A_286 = arith.muli %add3A_272, %mul3A_285 : i32
            %swap3A_287 = arith.index_cast %mul3A_286 : i32 to index
            %swap3A_288 = tpu.vector_load %arg8[%swap3A_287] {strides = array<i32>} : memref<3584xi32, #tpu.memory_space<vmem>>, vector<16xi32>,
            %swap3A_289 = vector.shape_cast %swap3A_288 : vector<16xi32> to vector<16xi32>
            %swap3A_290 = vector.shape_cast %bitcast3A_284 : vector<16xi32> to vector<16xi32>
            tpu.vector_store %arg8[%swap3A_287], %swap3A_290 {strides = array<i32>} : memref<3584xi32, #tpu.memory_space<vmem>>, vector<16xi32>,
            %mul3A_291 = arith.constant 16 : i32
            %mul3A_292 = arith.muli %scan3A_184, %mul3A_291 : i32
            %add3A_293 = arith.constant 5 : i32
            %add3A_294 = arith.addi %mul3A_292, %add3A_293 : i32
            %mul3A_295 = arith.constant 16 : i32
            %mul3A_296 = arith.muli %add3A_294, %mul3A_295 : i32
            %get3A_297 = arith.index_cast %mul3A_296 : i32 to index
            %get3A_298 = tpu.vector_load %arg8[%get3A_297] {strides = array<i32>} : memref<3584xi32, #tpu.memory_space<vmem>>, vector<16xi32>,
            %get3A_299 = vector.shape_cast %get3A_298 : vector<16xi32> to vector<16xi32>
            %sub3A_300 = arith.subi %get3A_299, %add3A_19 : vector<16xi32>
            %bitcast3A_301 = vector.bitcast %sub3A_300 : vector<16xi32> to vector<16xi32>
            %add3A_302 = arith.constant 5 : i32
            %add3A_303 = vector.broadcast %add3A_302 : i32 to vector<16xi32>
            %add3A_304 = arith.addi %bitcast3A, %add3A_303 : vector<16xi32>
            %min3A_305 = arith.minui %bitcast3A_301, %add3A_304 : vector<16xi32>
            %bitcast3A_306 = vector.bitcast %min3A_305 : vector<16xi32> to vector<16xi32>
            %mul3A_307 = arith.constant 16 : i32
            %mul3A_308 = arith.muli %add3A_294, %mul3A_307 : i32
            %swap3A_309 = arith.index_cast %mul3A_308 : i32 to index
            %swap3A_310 = tpu.vector_load %arg8[%swap3A_309] {strides = array<i32>} : memref<3584xi32, #tpu.memory_space<vmem>>, vector<16xi32>,
            %swap3A_311 = vector.shape_cast %swap3A_310 : vector<16xi32> to vector<16xi32>
            %swap3A_312 = vector.shape_cast %bitcast3A_306 : vector<16xi32> to vector<16xi32>
            tpu.vector_store %arg8[%swap3A_309], %swap3A_312 {strides = array<i32>} : memref<3584xi32, #tpu.memory_space<vmem>>, vector<16xi32>,
            %mul3A_313 = arith.constant 16 : i32
            %mul3A_314 = arith.muli %scan3A_184, %mul3A_313 : i32
            %add3A_315 = arith.constant 6 : i32
            %add3A_316 = arith.addi %mul3A_314, %add3A_315 : i32
            %mul3A_317 = arith.constant 16 : i32
            %mul3A_318 = arith.muli %add3A_316, %mul3A_317 : i32
            %get3A_319 = arith.index_cast %mul3A_318 : i32 to index
            %get3A_320 = tpu.vector_load %arg8[%get3A_319] {strides = array<i32>} : memref<3584xi32, #tpu.memory_space<vmem>>, vector<16xi32>,
            %get3A_321 = vector.shape_cast %get3A_320 : vector<16xi32> to vector<16xi32>
            %sub3A_322 = arith.subi %get3A_321, %add3A_19 : vector<16xi32>
            %bitcast3A_323 = vector.bitcast %sub3A_322 : vector<16xi32> to vector<16xi32>
            %add3A_324 = arith.constant 6 : i32
            %add3A_325 = vector.broadcast %add3A_324 : i32 to vector<16xi32>
            %add3A_326 = arith.addi %bitcast3A, %add3A_325 : vector<16xi32>
            %min3A_327 = arith.minui %bitcast3A_323, %add3A_326 : vector<16xi32>
            %bitcast3A_328 = vector.bitcast %min3A_327 : vector<16xi32> to vector<16xi32>
            %mul3A_329 = arith.constant 16 : i32
            %mul3A_330 = arith.muli %add3A_316, %mul3A_329 : i32
            %swap3A_331 = arith.index_cast %mul3A_330 : i32 to index
            %swap3A_332 = tpu.vector_load %arg8[%swap3A_331] {strides = array<i32>} : memref<3584xi32, #tpu.memory_space<vmem>>, vector<16xi32>,
            %swap3A_333 = vector.shape_cast %swap3A_332 : vector<16xi32> to vector<16xi32>
            %swap3A_334 = vector.shape_cast %bitcast3A_328 : vector<16xi32> to vector<16xi32>
            tpu.vector_store %arg8[%swap3A_331], %swap3A_334 {strides = array<i32>} : memref<3584xi32, #tpu.memory_space<vmem>>, vector<16xi32>,
            %mul3A_335 = arith.constant 16 : i32
            %mul3A_336 = arith.muli %scan3A_184, %mul3A_335 : i32
            %add3A_337 = arith.constant 7 : i32
            %add3A_338 = arith.addi %mul3A_336, %add3A_337 : i32
            %mul3A_339 = arith.constant 16 : i32
            %mul3A_340 = arith.muli %add3A_338, %mul3A_339 : i32
            %get3A_341 = arith.index_cast %mul3A_340 : i32 to index
            %get3A_342 = tpu.vector_load %arg8[%get3A_341] {strides = array<i32>} : memref<3584xi32, #tpu.memory_space<vmem>>, vector<16xi32>,
            %get3A_343 = vector.shape_cast %get3A_342 : vector<16xi32> to vector<16xi32>
            %sub3A_344 = arith.subi %get3A_343, %add3A_19 : vector<16xi32>
            %bitcast3A_345 = vector.bitcast %sub3A_344 : vector<16xi32> to vector<16xi32>
            %add3A_346 = arith.constant 7 : i32
            %add3A_347 = vector.broadcast %add3A_346 : i32 to vector<16xi32>
            %add3A_348 = arith.addi %bitcast3A, %add3A_347 : vector<16xi32>
            %min3A_349 = arith.minui %bitcast3A_345, %add3A_348 : vector<16xi32>
            %bitcast3A_350 = vector.bitcast %min3A_349 : vector<16xi32> to vector<16xi32>
            %mul3A_351 = arith.constant 16 : i32
            %mul3A_352 = arith.muli %add3A_338, %mul3A_351 : i32
            %swap3A_353 = arith.index_cast %mul3A_352 : i32 to index
            %swap3A_354 = tpu.vector_load %arg8[%swap3A_353] {strides = array<i32>} : memref<3584xi32, #tpu.memory_space<vmem>>, vector<16xi32>,
            %swap3A_355 = vector.shape_cast %swap3A_354 : vector<16xi32> to vector<16xi32>
            %swap3A_356 = vector.shape_cast %bitcast3A_350 : vector<16xi32> to vector<16xi32>
            tpu.vector_store %arg8[%swap3A_353], %swap3A_356 {strides = array<i32>} : memref<3584xi32, #tpu.memory_space<vmem>>, vector<16xi32>,
            %mul3A_357 = arith.constant 16 : i32
            %mul3A_358 = arith.muli %scan3A_184, %mul3A_357 : i32
            %add3A_359 = arith.constant 8 : i32
            %add3A_360 = arith.addi %mul3A_358, %add3A_359 : i32
            %mul3A_361 = arith.constant 16 : i32
            %mul3A_362 = arith.muli %add3A_360, %mul3A_361 : i32
            %get3A_363 = arith.index_cast %mul3A_362 : i32 to index
            %get3A_364 = tpu.vector_load %arg8[%get3A_363] {strides = array<i32>} : memref<3584xi32, #tpu.memory_space<vmem>>, vector<16xi32>,
            %get3A_365 = vector.shape_cast %get3A_364 : vector<16xi32> to vector<16xi32>
            %sub3A_366 = arith.subi %get3A_365, %add3A_19 : vector<16xi32>
            %bitcast3A_367 = vector.bitcast %sub3A_366 : vector<16xi32> to vector<16xi32>
            %add3A_368 = arith.constant 8 : i32
            %add3A_369 = vector.broadcast %add3A_368 : i32 to vector<16xi32>
            %add3A_370 = arith.addi %bitcast3A, %add3A_369 : vector<16xi32>
            %min3A_371 = arith.minui %bitcast3A_367, %add3A_370 : vector<16xi32>
            %bitcast3A_372 = vector.bitcast %min3A_371 : vector<16xi32> to vector<16xi32>
            %mul3A_373 = arith.constant 16 : i32
            %mul3A_374 = arith.muli %add3A_360, %mul3A_373 : i32
            %swap3A_375 = arith.index_cast %mul3A_374 : i32 to index
            %swap3A_376 = tpu.vector_load %arg8[%swap3A_375] {strides = array<i32>} : memref<3584xi32, #tpu.memory_space<vmem>>, vector<16xi32>,
            %swap3A_377 = vector.shape_cast %swap3A_376 : vector<16xi32> to vector<16xi32>
            %swap3A_378 = vector.shape_cast %bitcast3A_372 : vector<16xi32> to vector<16xi32>
            tpu.vector_store %arg8[%swap3A_375], %swap3A_378 {strides = array<i32>} : memref<3584xi32, #tpu.memory_space<vmem>>, vector<16xi32>,
            %mul3A_379 = arith.constant 16 : i32
            %mul3A_380 = arith.muli %scan3A_184, %mul3A_379 : i32
            %add3A_381 = arith.constant 9 : i32
            %add3A_382 = arith.addi %mul3A_380, %add3A_381 : i32
            %mul3A_383 = arith.constant 16 : i32
            %mul3A_384 = arith.muli %add3A_382, %mul3A_383 : i32
            %get3A_385 = arith.index_cast %mul3A_384 : i32 to index
            %get3A_386 = tpu.vector_load %arg8[%get3A_385] {strides = array<i32>} : memref<3584xi32, #tpu.memory_space<vmem>>, vector<16xi32>,
            %get3A_387 = vector.shape_cast %get3A_386 : vector<16xi32> to vector<16xi32>
            %sub3A_388 = arith.subi %get3A_387, %add3A_19 : vector<16xi32>
            %bitcast3A_389 = vector.bitcast %sub3A_388 : vector<16xi32> to vector<16xi32>
            %add3A_390 = arith.constant 9 : i32
            %add3A_391 = vector.broadcast %add3A_390 : i32 to vector<16xi32>
            %add3A_392 = arith.addi %bitcast3A, %add3A_391 : vector<16xi32>
            %min3A_393 = arith.minui %bitcast3A_389, %add3A_392 : vector<16xi32>
            %bitcast3A_394 = vector.bitcast %min3A_393 : vector<16xi32> to vector<16xi32>
            %mul3A_395 = arith.constant 16 : i32
            %mul3A_396 = arith.muli %add3A_382, %mul3A_395 : i32
            %swap3A_397 = arith.index_cast %mul3A_396 : i32 to index
            %swap3A_398 = tpu.vector_load %arg8[%swap3A_397] {strides = array<i32>} : memref<3584xi32, #tpu.memory_space<vmem>>, vector<16xi32>,
            %swap3A_399 = vector.shape_cast %swap3A_398 : vector<16xi32> to vector<16xi32>
            %swap3A_400 = vector.shape_cast %bitcast3A_394 : vector<16xi32> to vector<16xi32>
            tpu.vector_store %arg8[%swap3A_397], %swap3A_400 {strides = array<i32>} : memref<3584xi32, #tpu.memory_space<vmem>>, vector<16xi32>,
            %mul3A_401 = arith.constant 16 : i32
            %mul3A_402 = arith.muli %scan3A_184, %mul3A_401 : i32
            %add3A_403 = arith.constant 10 : i32
            %add3A_404 = arith.addi %mul3A_402, %add3A_403 : i32
            %mul3A_405 = arith.constant 16 : i32
            %mul3A_406 = arith.muli %add3A_404, %mul3A_405 : i32
            %get3A_407 = arith.index_cast %mul3A_406 : i32 to index
            %get3A_408 = tpu.vector_load %arg8[%get3A_407] {strides = array<i32>} : memref<3584xi32, #tpu.memory_space<vmem>>, vector<16xi32>,
            %get3A_409 = vector.shape_cast %get3A_408 : vector<16xi32> to vector<16xi32>
            %sub3A_410 = arith.subi %get3A_409, %add3A_19 : vector<16xi32>
            %bitcast3A_411 = vector.bitcast %sub3A_410 : vector<16xi32> to vector<16xi32>
            %add3A_412 = arith.constant 10 : i32
            %add3A_413 = vector.broadcast %add3A_412 : i32 to vector<16xi32>
            %add3A_414 = arith.addi %bitcast3A, %add3A_413 : vector<16xi32>
            %min3A_415 = arith.minui %bitcast3A_411, %add3A_414 : vector<16xi32>
            %bitcast3A_416 = vector.bitcast %min3A_415 : vector<16xi32> to vector<16xi32>
            %mul3A_417 = arith.constant 16 : i32
            %mul3A_418 = arith.muli %add3A_404, %mul3A_417 : i32
            %swap3A_419 = arith.index_cast %mul3A_418 : i32 to index
            %swap3A_420 = tpu.vector_load %arg8[%swap3A_419] {strides = array<i32>} : memref<3584xi32, #tpu.memory_space<vmem>>, vector<16xi32>,
            %swap3A_421 = vector.shape_cast %swap3A_420 : vector<16xi32> to vector<16xi32>
            %swap3A_422 = vector.shape_cast %bitcast3A_416 : vector<16xi32> to vector<16xi32>
            tpu.vector_store %arg8[%swap3A_419], %swap3A_422 {strides = array<i32>} : memref<3584xi32, #tpu.memory_space<vmem>>, vector<16xi32>,
            %mul3A_423 = arith.constant 16 : i32
            %mul3A_424 = arith.muli %scan3A_184, %mul3A_423 : i32
            %add3A_425 = arith.constant 11 : i32
            %add3A_426 = arith.addi %mul3A_424, %add3A_425 : i32
            %mul3A_427 = arith.constant 16 : i32
            %mul3A_428 = arith.muli %add3A_426, %mul3A_427 : i32
            %get3A_429 = arith.index_cast %mul3A_428 : i32 to index
            %get3A_430 = tpu.vector_load %arg8[%get3A_429] {strides = array<i32>} : memref<3584xi32, #tpu.memory_space<vmem>>, vector<16xi32>,
            %get3A_431 = vector.shape_cast %get3A_430 : vector<16xi32> to vector<16xi32>
            %sub3A_432 = arith.subi %get3A_431, %add3A_19 : vector<16xi32>
            %bitcast3A_433 = vector.bitcast %sub3A_432 : vector<16xi32> to vector<16xi32>
            %add3A_434 = arith.constant 11 : i32
            %add3A_435 = vector.broadcast %add3A_434 : i32 to vector<16xi32>
            %add3A_436 = arith.addi %bitcast3A, %add3A_435 : vector<16xi32>
            %min3A_437 = arith.minui %bitcast3A_433, %add3A_436 : vector<16xi32>
            %bitcast3A_438 = vector.bitcast %min3A_437 : vector<16xi32> to vector<16xi32>
            %mul3A_439 = arith.constant 16 : i32
            %mul3A_440 = arith.muli %add3A_426, %mul3A_439 : i32
            %swap3A_441 = arith.index_cast %mul3A_440 : i32 to index
            %swap3A_442 = tpu.vector_load %arg8[%swap3A_441] {strides = array<i32>} : memref<3584xi32, #tpu.memory_space<vmem>>, vector<16xi32>,
            %swap3A_443 = vector.shape_cast %swap3A_442 : vector<16xi32> to vector<16xi32>
            %swap3A_444 = vector.shape_cast %bitcast3A_438 : vector<16xi32> to vector<16xi32>
            tpu.vector_store %arg8[%swap3A_441], %swap3A_444 {strides = array<i32>} : memref<3584xi32, #tpu.memory_space<vmem>>, vector<16xi32>,
            %mul3A_445 = arith.constant 16 : i32
            %mul3A_446 = arith.muli %scan3A_184, %mul3A_445 : i32
            %add3A_447 = arith.constant 12 : i32
            %add3A_448 = arith.addi %mul3A_446, %add3A_447 : i32
            %mul3A_449 = arith.constant 16 : i32
            %mul3A_450 = arith.muli %add3A_448, %mul3A_449 : i32
            %get3A_451 = arith.index_cast %mul3A_450 : i32 to index
            %get3A_452 = tpu.vector_load %arg8[%get3A_451] {strides = array<i32>} : memref<3584xi32, #tpu.memory_space<vmem>>, vector<16xi32>,
            %get3A_453 = vector.shape_cast %get3A_452 : vector<16xi32> to vector<16xi32>
            %sub3A_454 = arith.subi %get3A_453, %add3A_19 : vector<16xi32>
            %bitcast3A_455 = vector.bitcast %sub3A_454 : vector<16xi32> to vector<16xi32>
            %add3A_456 = arith.constant 12 : i32
            %add3A_457 = vector.broadcast %add3A_456 : i32 to vector<16xi32>
            %add3A_458 = arith.addi %bitcast3A, %add3A_457 : vector<16xi32>
            %min3A_459 = arith.minui %bitcast3A_455, %add3A_458 : vector<16xi32>
            %bitcast3A_460 = vector.bitcast %min3A_459 : vector<16xi32> to vector<16xi32>
            %mul3A_461 = arith.constant 16 : i32
            %mul3A_462 = arith.muli %add3A_448, %mul3A_461 : i32
            %swap3A_463 = arith.index_cast %mul3A_462 : i32 to index
            %swap3A_464 = tpu.vector_load %arg8[%swap3A_463] {strides = array<i32>} : memref<3584xi32, #tpu.memory_space<vmem>>, vector<16xi32>,
            %swap3A_465 = vector.shape_cast %swap3A_464 : vector<16xi32> to vector<16xi32>
            %swap3A_466 = vector.shape_cast %bitcast3A_460 : vector<16xi32> to vector<16xi32>
            tpu.vector_store %arg8[%swap3A_463], %swap3A_466 {strides = array<i32>} : memref<3584xi32, #tpu.memory_space<vmem>>, vector<16xi32>,
            %mul3A_467 = arith.constant 16 : i32
            %mul3A_468 = arith.muli %scan3A_184, %mul3A_467 : i32
            %add3A_469 = arith.constant 13 : i32
            %add3A_470 = arith.addi %mul3A_468, %add3A_469 : i32
            %mul3A_471 = arith.constant 16 : i32
            %mul3A_472 = arith.muli %add3A_470, %mul3A_471 : i32
            %get3A_473 = arith.index_cast %mul3A_472 : i32 to index
            %get3A_474 = tpu.vector_load %arg8[%get3A_473] {strides = array<i32>} : memref<3584xi32, #tpu.memory_space<vmem>>, vector<16xi32>,
            %get3A_475 = vector.shape_cast %get3A_474 : vector<16xi32> to vector<16xi32>
            %sub3A_476 = arith.subi %get3A_475, %add3A_19 : vector<16xi32>
            %bitcast3A_477 = vector.bitcast %sub3A_476 : vector<16xi32> to vector<16xi32>
            %add3A_478 = arith.constant 13 : i32
            %add3A_479 = vector.broadcast %add3A_478 : i32 to vector<16xi32>
            %add3A_480 = arith.addi %bitcast3A, %add3A_479 : vector<16xi32>
            %min3A_481 = arith.minui %bitcast3A_477, %add3A_480 : vector<16xi32>
            %bitcast3A_482 = vector.bitcast %min3A_481 : vector<16xi32> to vector<16xi32>
            %mul3A_483 = arith.constant 16 : i32
            %mul3A_484 = arith.muli %add3A_470, %mul3A_483 : i32
            %swap3A_485 = arith.index_cast %mul3A_484 : i32 to index
            %swap3A_486 = tpu.vector_load %arg8[%swap3A_485] {strides = array<i32>} : memref<3584xi32, #tpu.memory_space<vmem>>, vector<16xi32>,
            %swap3A_487 = vector.shape_cast %swap3A_486 : vector<16xi32> to vector<16xi32>
            %swap3A_488 = vector.shape_cast %bitcast3A_482 : vector<16xi32> to vector<16xi32>
            tpu.vector_store %arg8[%swap3A_485], %swap3A_488 {strides = array<i32>} : memref<3584xi32, #tpu.memory_space<vmem>>, vector<16xi32>,
            %mul3A_489 = arith.constant 16 : i32
            %mul3A_490 = arith.muli %scan3A_184, %mul3A_489 : i32
            %add3A_491 = arith.constant 14 : i32
            %add3A_492 = arith.addi %mul3A_490, %add3A_491 : i32
            %mul3A_493 = arith.constant 16 : i32
            %mul3A_494 = arith.muli %add3A_492, %mul3A_493 : i32
            %get3A_495 = arith.index_cast %mul3A_494 : i32 to index
            %get3A_496 = tpu.vector_load %arg8[%get3A_495] {strides = array<i32>} : memref<3584xi32, #tpu.memory_space<vmem>>, vector<16xi32>,
            %get3A_497 = vector.shape_cast %get3A_496 : vector<16xi32> to vector<16xi32>
            %sub3A_498 = arith.subi %get3A_497, %add3A_19 : vector<16xi32>
            %bitcast3A_499 = vector.bitcast %sub3A_498 : vector<16xi32> to vector<16xi32>
            %add3A_500 = arith.constant 14 : i32
            %add3A_501 = vector.broadcast %add3A_500 : i32 to vector<16xi32>
            %add3A_502 = arith.addi %bitcast3A, %add3A_501 : vector<16xi32>
            %min3A_503 = arith.minui %bitcast3A_499, %add3A_502 : vector<16xi32>
            %bitcast3A_504 = vector.bitcast %min3A_503 : vector<16xi32> to vector<16xi32>
            %mul3A_505 = arith.constant 16 : i32
            %mul3A_506 = arith.muli %add3A_492, %mul3A_505 : i32
            %swap3A_507 = arith.index_cast %mul3A_506 : i32 to index
            %swap3A_508 = tpu.vector_load %arg8[%swap3A_507] {strides = array<i32>} : memref<3584xi32, #tpu.memory_space<vmem>>, vector<16xi32>,
            %swap3A_509 = vector.shape_cast %swap3A_508 : vector<16xi32> to vector<16xi32>
            %swap3A_510 = vector.shape_cast %bitcast3A_504 : vector<16xi32> to vector<16xi32>
            tpu.vector_store %arg8[%swap3A_507], %swap3A_510 {strides = array<i32>} : memref<3584xi32, #tpu.memory_space<vmem>>, vector<16xi32>,
            %mul3A_511 = arith.constant 16 : i32
            %mul3A_512 = arith.muli %scan3A_184, %mul3A_511 : i32
            %add3A_513 = arith.constant 15 : i32
            %add3A_514 = arith.addi %mul3A_512, %add3A_513 : i32
            %mul3A_515 = arith.constant 16 : i32
            %mul3A_516 = arith.muli %add3A_514, %mul3A_515 : i32
            %get3A_517 = arith.index_cast %mul3A_516 : i32 to index
            %get3A_518 = tpu.vector_load %arg8[%get3A_517] {strides = array<i32>} : memref<3584xi32, #tpu.memory_space<vmem>>, vector<16xi32>,
            %get3A_519 = vector.shape_cast %get3A_518 : vector<16xi32> to vector<16xi32>
            %sub3A_520 = arith.subi %get3A_519, %add3A_19 : vector<16xi32>
            %bitcast3A_521 = vector.bitcast %sub3A_520 : vector<16xi32> to vector<16xi32>
            %add3A_522 = arith.constant 15 : i32
            %add3A_523 = vector.broadcast %add3A_522 : i32 to vector<16xi32>
            %add3A_524 = arith.addi %bitcast3A, %add3A_523 : vector<16xi32>
            %min3A_525 = arith.minui %bitcast3A_521, %add3A_524 : vector<16xi32>
            %bitcast3A_526 = vector.bitcast %min3A_525 : vector<16xi32> to vector<16xi32>
            %mul3A_527 = arith.constant 16 : i32
            %mul3A_528 = arith.muli %add3A_514, %mul3A_527 : i32
            %swap3A_529 = arith.index_cast %mul3A_528 : i32 to index
            %swap3A_530 = tpu.vector_load %arg8[%swap3A_529] {strides = array<i32>} : memref<3584xi32, #tpu.memory_space<vmem>>, vector<16xi32>,
            %swap3A_531 = vector.shape_cast %swap3A_530 : vector<16xi32> to vector<16xi32>
            %swap3A_532 = vector.shape_cast %bitcast3A_526 : vector<16xi32> to vector<16xi32>
            tpu.vector_store %arg8[%swap3A_529], %swap3A_532 {strides = array<i32>} : memref<3584xi32, #tpu.memory_space<vmem>>, vector<16xi32>,
          }
          %scan3A_136 = arith.constant 14 : i32
          %dma_start3A_137 = arith.constant 0 : i32
          %dma_start3A_138 = tpu.memref_slice %arg14[%dma_start3A_137] : memref<1605888xf32, #tpu.memory_space<vmem_shared>> -> memref<1605888xf32, #tpu.memory_space<vmem_shared>>
          tpu.enqueue_indirect_dma source(%arg12 : memref<3584xf32, #tpu.memory_space<vmem>>) target(%dma_start3A_138 : memref<1605888xf32, #tpu.memory_space<vmem_shared>>) offsets(%arg8 : memref<3584xi32, #tpu.memory_space<vmem>>) semaphore(%arg21 : memref<!tpu.dma_semaphore, #tpu.memory_space<semaphore_mem>>) {add = true}
          %ge3A_139 = arith.constant 2 : i32
          %ge3A_140 = arith.cmpi sge, %add3A_121, %ge3A_139 : i32
          %convert_element_type3A_141 = arith.extui %ge3A_140 : i1 to i32
          %cond3A_142 = arith.constant 0 : i32
          %cond3A_143 = arith.cmpi ne, %convert_element_type3A_141, %cond3A_142 : i32
          scf.if %cond3A_143 {
            %dma_wait3A_184 = arith.constant 0 : i32
            %dma_wait3A_185 = tpu.memref_slice %arg14[%dma_wait3A_184] : memref<1605888xf32, #tpu.memory_space<vmem_shared>> -> memref<1605888xf32, #tpu.memory_space<vmem_shared>>
            tpu.wait_indirect_dma semaphore(%arg19 : memref<!tpu.dma_semaphore, #tpu.memory_space<semaphore_mem>>) src(%arg10 : memref<3584xf32, #tpu.memory_space<vmem>>) dst(%dma_wait3A_185 : memref<1605888xf32, #tpu.memory_space<vmem_shared>>)
          } else {
          }
          %add3A_144 = arith.constant 2 : i32
          %add3A_145 = arith.addi %add3A_121, %add3A_144 : i32
          %lt3A_146 = arith.constant 168 : i32
          %lt3A_147 = arith.cmpi slt, %add3A_145, %lt3A_146 : i32
          %convert_element_type3A_148 = arith.extui %lt3A_147 : i1 to i32
          %cond3A_149 = arith.constant 0 : i32
          %cond3A_150 = arith.cmpi ne, %convert_element_type3A_148, %cond3A_149 : i32
          scf.if %cond3A_150 {
            %add3A_184 = arith.constant 2 : i32
            %add3A_185 = arith.addi %add3A_121, %add3A_184 : i32
            %mul3A_186 = arith.constant 602112 : i32
            %mul3A_187 = arith.muli %arg1, %mul3A_186 : i32
            %mul3A_188 = arith.constant 3584 : i32
            %mul3A_189 = arith.muli %add3A_185, %mul3A_188 : i32
            %add3A_190 = arith.addi %mul3A_187, %mul3A_189 : i32
            %dma_start3A_191 = tpu.memref_slice %arg2[%add3A_190] : memref<9633792xi32, #tpu.memory_space<hbm>> -> memref<3584xi32, #tpu.memory_space<hbm>>
            %dma_start3A_192 = tpu.memref_slice %arg2[%add3A_190] : memref<9633792xi32, #tpu.memory_space<hbm>> -> memref<3584xi32, #tpu.memory_space<hbm>>
            tpu.enqueue_dma source(%dma_start3A_192 : memref<3584xi32, #tpu.memory_space<hbm>>) target(%arg6 : memref<3584xi32, #tpu.memory_space<vmem>>) target_semaphore(%arg15 : memref<!tpu.dma_semaphore, #tpu.memory_space<semaphore_mem>>)
            %dma_start3A_193 = tpu.memref_slice %arg3[%add3A_190] : memref<9633792xf32, #tpu.memory_space<hbm>> -> memref<3584xf32, #tpu.memory_space<hbm>>
            %dma_start3A_194 = tpu.memref_slice %arg3[%add3A_190] : memref<9633792xf32, #tpu.memory_space<hbm>> -> memref<3584xf32, #tpu.memory_space<hbm>>
            tpu.enqueue_dma source(%dma_start3A_194 : memref<3584xf32, #tpu.memory_space<hbm>>) target(%arg10 : memref<3584xf32, #tpu.memory_space<vmem>>) target_semaphore(%arg15 : memref<!tpu.dma_semaphore, #tpu.memory_space<semaphore_mem>>)
          } else {
          }
          %mul3A_151 = arith.constant 4 : i32
          %mul3A_152 = arith.muli %mul3A_151, %scan3A_52 : i32
          %add3A_153 = arith.constant 3 : i32
          %add3A_154 = arith.addi %mul3A_152, %add3A_153 : i32
          %mul3A_155 = arith.constant 602112 : i32
          %mul3A_156 = arith.muli %arg1, %mul3A_155 : i32
          %mul3A_157 = arith.constant 3584 : i32
          %mul3A_158 = arith.muli %add3A_154, %mul3A_157 : i32
          %add3A_159 = arith.addi %mul3A_156, %mul3A_158 : i32
          %dma_wait3A_160 = tpu.memref_slice %arg2[%add3A_159] : memref<9633792xi32, #tpu.memory_space<hbm>> -> memref<3584xi32, #tpu.memory_space<hbm>>
          %dma_wait3A_161 = tpu.memref_slice %arg2[%add3A_159] : memref<9633792xi32, #tpu.memory_space<hbm>> -> memref<3584xi32, #tpu.memory_space<hbm>>
          tpu.wait_dma2 semaphore(%arg18 : memref<!tpu.dma_semaphore, #tpu.memory_space<semaphore_mem>>) src(%dma_wait3A_161 : memref<3584xi32, #tpu.memory_space<hbm>>) dst(%arg9 : memref<3584xi32, #tpu.memory_space<vmem>>)
          %dma_wait3A_162 = tpu.memref_slice %arg3[%add3A_159] : memref<9633792xf32, #tpu.memory_space<hbm>> -> memref<3584xf32, #tpu.memory_space<hbm>>
          %dma_wait3A_163 = tpu.memref_slice %arg3[%add3A_159] : memref<9633792xf32, #tpu.memory_space<hbm>> -> memref<3584xf32, #tpu.memory_space<hbm>>
          tpu.wait_dma2 semaphore(%arg18 : memref<!tpu.dma_semaphore, #tpu.memory_space<semaphore_mem>>) src(%dma_wait3A_163 : memref<3584xf32, #tpu.memory_space<hbm>>) dst(%arg13 : memref<3584xf32, #tpu.memory_space<vmem>>)
          %scan3A_164 = arith.constant 0 : i32
          %scan3A_165 = arith.constant 0 : i32
          %scan3A_166 = arith.constant 14 : i32
          %scan3A_167 = arith.addi %scan3A_165, %scan3A_166 : i32
          %scan3A_168 = arith.constant 1 : i32
          scf.for %scan3A_184 = %scan3A_165 to %scan3A_167 step %scan3A_168  : i32 {
            %mul3A_185 = arith.constant 16 : i32
            %mul3A_186 = arith.muli %scan3A_184, %mul3A_185 : i32
            %add3A_187 = arith.constant 0 : i32
            %add3A_188 = arith.addi %mul3A_186, %add3A_187 : i32
            %mul3A_189 = arith.constant 16 : i32
            %mul3A_190 = arith.muli %add3A_188, %mul3A_189 : i32
            %get3A = arith.index_cast %mul3A_190 : i32 to index
            %get3A_191 = tpu.vector_load %arg9[%get3A] {strides = array<i32>} : memref<3584xi32, #tpu.memory_space<vmem>>, vector<16xi32>,
            %get3A_192 = vector.shape_cast %get3A_191 : vector<16xi32> to vector<16xi32>
            %sub3A = arith.subi %get3A_192, %add3A_19 : vector<16xi32>
            %bitcast3A_193 = vector.bitcast %sub3A : vector<16xi32> to vector<16xi32>
            %add3A_194 = arith.constant 0 : i32
            %add3A_195 = vector.broadcast %add3A_194 : i32 to vector<16xi32>
            %add3A_196 = arith.addi %bitcast3A, %add3A_195 : vector<16xi32>
            %min3A = arith.minui %bitcast3A_193, %add3A_196 : vector<16xi32>
            %bitcast3A_197 = vector.bitcast %min3A : vector<16xi32> to vector<16xi32>
            %mul3A_198 = arith.constant 16 : i32
            %mul3A_199 = arith.muli %add3A_188, %mul3A_198 : i32
            %swap3A = arith.index_cast %mul3A_199 : i32 to index
            %swap3A_200 = tpu.vector_load %arg9[%swap3A] {strides = array<i32>} : memref<3584xi32, #tpu.memory_space<vmem>>, vector<16xi32>,
            %swap3A_201 = vector.shape_cast %swap3A_200 : vector<16xi32> to vector<16xi32>
            %swap3A_202 = vector.shape_cast %bitcast3A_197 : vector<16xi32> to vector<16xi32>
            tpu.vector_store %arg9[%swap3A], %swap3A_202 {strides = array<i32>} : memref<3584xi32, #tpu.memory_space<vmem>>, vector<16xi32>,
            %mul3A_203 = arith.constant 16 : i32
            %mul3A_204 = arith.muli %scan3A_184, %mul3A_203 : i32
            %add3A_205 = arith.constant 1 : i32
            %add3A_206 = arith.addi %mul3A_204, %add3A_205 : i32
            %mul3A_207 = arith.constant 16 : i32
            %mul3A_208 = arith.muli %add3A_206, %mul3A_207 : i32
            %get3A_209 = arith.index_cast %mul3A_208 : i32 to index
            %get3A_210 = tpu.vector_load %arg9[%get3A_209] {strides = array<i32>} : memref<3584xi32, #tpu.memory_space<vmem>>, vector<16xi32>,
            %get3A_211 = vector.shape_cast %get3A_210 : vector<16xi32> to vector<16xi32>
            %sub3A_212 = arith.subi %get3A_211, %add3A_19 : vector<16xi32>
            %bitcast3A_213 = vector.bitcast %sub3A_212 : vector<16xi32> to vector<16xi32>
            %add3A_214 = arith.constant 1 : i32
            %add3A_215 = vector.broadcast %add3A_214 : i32 to vector<16xi32>
            %add3A_216 = arith.addi %bitcast3A, %add3A_215 : vector<16xi32>
            %min3A_217 = arith.minui %bitcast3A_213, %add3A_216 : vector<16xi32>
            %bitcast3A_218 = vector.bitcast %min3A_217 : vector<16xi32> to vector<16xi32>
            %mul3A_219 = arith.constant 16 : i32
            %mul3A_220 = arith.muli %add3A_206, %mul3A_219 : i32
            %swap3A_221 = arith.index_cast %mul3A_220 : i32 to index
            %swap3A_222 = tpu.vector_load %arg9[%swap3A_221] {strides = array<i32>} : memref<3584xi32, #tpu.memory_space<vmem>>, vector<16xi32>,
            %swap3A_223 = vector.shape_cast %swap3A_222 : vector<16xi32> to vector<16xi32>
            %swap3A_224 = vector.shape_cast %bitcast3A_218 : vector<16xi32> to vector<16xi32>
            tpu.vector_store %arg9[%swap3A_221], %swap3A_224 {strides = array<i32>} : memref<3584xi32, #tpu.memory_space<vmem>>, vector<16xi32>,
            %mul3A_225 = arith.constant 16 : i32
            %mul3A_226 = arith.muli %scan3A_184, %mul3A_225 : i32
            %add3A_227 = arith.constant 2 : i32
            %add3A_228 = arith.addi %mul3A_226, %add3A_227 : i32
            %mul3A_229 = arith.constant 16 : i32
            %mul3A_230 = arith.muli %add3A_228, %mul3A_229 : i32
            %get3A_231 = arith.index_cast %mul3A_230 : i32 to index
            %get3A_232 = tpu.vector_load %arg9[%get3A_231] {strides = array<i32>} : memref<3584xi32, #tpu.memory_space<vmem>>, vector<16xi32>,
            %get3A_233 = vector.shape_cast %get3A_232 : vector<16xi32> to vector<16xi32>
            %sub3A_234 = arith.subi %get3A_233, %add3A_19 : vector<16xi32>
            %bitcast3A_235 = vector.bitcast %sub3A_234 : vector<16xi32> to vector<16xi32>
            %add3A_236 = arith.constant 2 : i32
            %add3A_237 = vector.broadcast %add3A_236 : i32 to vector<16xi32>
            %add3A_238 = arith.addi %bitcast3A, %add3A_237 : vector<16xi32>
            %min3A_239 = arith.minui %bitcast3A_235, %add3A_238 : vector<16xi32>
            %bitcast3A_240 = vector.bitcast %min3A_239 : vector<16xi32> to vector<16xi32>
            %mul3A_241 = arith.constant 16 : i32
            %mul3A_242 = arith.muli %add3A_228, %mul3A_241 : i32
            %swap3A_243 = arith.index_cast %mul3A_242 : i32 to index
            %swap3A_244 = tpu.vector_load %arg9[%swap3A_243] {strides = array<i32>} : memref<3584xi32, #tpu.memory_space<vmem>>, vector<16xi32>,
            %swap3A_245 = vector.shape_cast %swap3A_244 : vector<16xi32> to vector<16xi32>
            %swap3A_246 = vector.shape_cast %bitcast3A_240 : vector<16xi32> to vector<16xi32>
            tpu.vector_store %arg9[%swap3A_243], %swap3A_246 {strides = array<i32>} : memref<3584xi32, #tpu.memory_space<vmem>>, vector<16xi32>,
            %mul3A_247 = arith.constant 16 : i32
            %mul3A_248 = arith.muli %scan3A_184, %mul3A_247 : i32
            %add3A_249 = arith.constant 3 : i32
            %add3A_250 = arith.addi %mul3A_248, %add3A_249 : i32
            %mul3A_251 = arith.constant 16 : i32
            %mul3A_252 = arith.muli %add3A_250, %mul3A_251 : i32
            %get3A_253 = arith.index_cast %mul3A_252 : i32 to index
            %get3A_254 = tpu.vector_load %arg9[%get3A_253] {strides = array<i32>} : memref<3584xi32, #tpu.memory_space<vmem>>, vector<16xi32>,
            %get3A_255 = vector.shape_cast %get3A_254 : vector<16xi32> to vector<16xi32>
            %sub3A_256 = arith.subi %get3A_255, %add3A_19 : vector<16xi32>
            %bitcast3A_257 = vector.bitcast %sub3A_256 : vector<16xi32> to vector<16xi32>
            %add3A_258 = arith.constant 3 : i32
            %add3A_259 = vector.broadcast %add3A_258 : i32 to vector<16xi32>
            %add3A_260 = arith.addi %bitcast3A, %add3A_259 : vector<16xi32>
            %min3A_261 = arith.minui %bitcast3A_257, %add3A_260 : vector<16xi32>
            %bitcast3A_262 = vector.bitcast %min3A_261 : vector<16xi32> to vector<16xi32>
            %mul3A_263 = arith.constant 16 : i32
            %mul3A_264 = arith.muli %add3A_250, %mul3A_263 : i32
            %swap3A_265 = arith.index_cast %mul3A_264 : i32 to index
            %swap3A_266 = tpu.vector_load %arg9[%swap3A_265] {strides = array<i32>} : memref<3584xi32, #tpu.memory_space<vmem>>, vector<16xi32>,
            %swap3A_267 = vector.shape_cast %swap3A_266 : vector<16xi32> to vector<16xi32>
            %swap3A_268 = vector.shape_cast %bitcast3A_262 : vector<16xi32> to vector<16xi32>
            tpu.vector_store %arg9[%swap3A_265], %swap3A_268 {strides = array<i32>} : memref<3584xi32, #tpu.memory_space<vmem>>, vector<16xi32>,
            %mul3A_269 = arith.constant 16 : i32
            %mul3A_270 = arith.muli %scan3A_184, %mul3A_269 : i32
            %add3A_271 = arith.constant 4 : i32
            %add3A_272 = arith.addi %mul3A_270, %add3A_271 : i32
            %mul3A_273 = arith.constant 16 : i32
            %mul3A_274 = arith.muli %add3A_272, %mul3A_273 : i32
            %get3A_275 = arith.index_cast %mul3A_274 : i32 to index
            %get3A_276 = tpu.vector_load %arg9[%get3A_275] {strides = array<i32>} : memref<3584xi32, #tpu.memory_space<vmem>>, vector<16xi32>,
            %get3A_277 = vector.shape_cast %get3A_276 : vector<16xi32> to vector<16xi32>
            %sub3A_278 = arith.subi %get3A_277, %add3A_19 : vector<16xi32>
            %bitcast3A_279 = vector.bitcast %sub3A_278 : vector<16xi32> to vector<16xi32>
            %add3A_280 = arith.constant 4 : i32
            %add3A_281 = vector.broadcast %add3A_280 : i32 to vector<16xi32>
            %add3A_282 = arith.addi %bitcast3A, %add3A_281 : vector<16xi32>
            %min3A_283 = arith.minui %bitcast3A_279, %add3A_282 : vector<16xi32>
            %bitcast3A_284 = vector.bitcast %min3A_283 : vector<16xi32> to vector<16xi32>
            %mul3A_285 = arith.constant 16 : i32
            %mul3A_286 = arith.muli %add3A_272, %mul3A_285 : i32
            %swap3A_287 = arith.index_cast %mul3A_286 : i32 to index
            %swap3A_288 = tpu.vector_load %arg9[%swap3A_287] {strides = array<i32>} : memref<3584xi32, #tpu.memory_space<vmem>>, vector<16xi32>,
            %swap3A_289 = vector.shape_cast %swap3A_288 : vector<16xi32> to vector<16xi32>
            %swap3A_290 = vector.shape_cast %bitcast3A_284 : vector<16xi32> to vector<16xi32>
            tpu.vector_store %arg9[%swap3A_287], %swap3A_290 {strides = array<i32>} : memref<3584xi32, #tpu.memory_space<vmem>>, vector<16xi32>,
            %mul3A_291 = arith.constant 16 : i32
            %mul3A_292 = arith.muli %scan3A_184, %mul3A_291 : i32
            %add3A_293 = arith.constant 5 : i32
            %add3A_294 = arith.addi %mul3A_292, %add3A_293 : i32
            %mul3A_295 = arith.constant 16 : i32
            %mul3A_296 = arith.muli %add3A_294, %mul3A_295 : i32
            %get3A_297 = arith.index_cast %mul3A_296 : i32 to index
            %get3A_298 = tpu.vector_load %arg9[%get3A_297] {strides = array<i32>} : memref<3584xi32, #tpu.memory_space<vmem>>, vector<16xi32>,
            %get3A_299 = vector.shape_cast %get3A_298 : vector<16xi32> to vector<16xi32>
            %sub3A_300 = arith.subi %get3A_299, %add3A_19 : vector<16xi32>
            %bitcast3A_301 = vector.bitcast %sub3A_300 : vector<16xi32> to vector<16xi32>
            %add3A_302 = arith.constant 5 : i32
            %add3A_303 = vector.broadcast %add3A_302 : i32 to vector<16xi32>
            %add3A_304 = arith.addi %bitcast3A, %add3A_303 : vector<16xi32>
            %min3A_305 = arith.minui %bitcast3A_301, %add3A_304 : vector<16xi32>
            %bitcast3A_306 = vector.bitcast %min3A_305 : vector<16xi32> to vector<16xi32>
            %mul3A_307 = arith.constant 16 : i32
            %mul3A_308 = arith.muli %add3A_294, %mul3A_307 : i32
            %swap3A_309 = arith.index_cast %mul3A_308 : i32 to index
            %swap3A_310 = tpu.vector_load %arg9[%swap3A_309] {strides = array<i32>} : memref<3584xi32, #tpu.memory_space<vmem>>, vector<16xi32>,
            %swap3A_311 = vector.shape_cast %swap3A_310 : vector<16xi32> to vector<16xi32>
            %swap3A_312 = vector.shape_cast %bitcast3A_306 : vector<16xi32> to vector<16xi32>
            tpu.vector_store %arg9[%swap3A_309], %swap3A_312 {strides = array<i32>} : memref<3584xi32, #tpu.memory_space<vmem>>, vector<16xi32>,
            %mul3A_313 = arith.constant 16 : i32
            %mul3A_314 = arith.muli %scan3A_184, %mul3A_313 : i32
            %add3A_315 = arith.constant 6 : i32
            %add3A_316 = arith.addi %mul3A_314, %add3A_315 : i32
            %mul3A_317 = arith.constant 16 : i32
            %mul3A_318 = arith.muli %add3A_316, %mul3A_317 : i32
            %get3A_319 = arith.index_cast %mul3A_318 : i32 to index
            %get3A_320 = tpu.vector_load %arg9[%get3A_319] {strides = array<i32>} : memref<3584xi32, #tpu.memory_space<vmem>>, vector<16xi32>,
            %get3A_321 = vector.shape_cast %get3A_320 : vector<16xi32> to vector<16xi32>
            %sub3A_322 = arith.subi %get3A_321, %add3A_19 : vector<16xi32>
            %bitcast3A_323 = vector.bitcast %sub3A_322 : vector<16xi32> to vector<16xi32>
            %add3A_324 = arith.constant 6 : i32
            %add3A_325 = vector.broadcast %add3A_324 : i32 to vector<16xi32>
            %add3A_326 = arith.addi %bitcast3A, %add3A_325 : vector<16xi32>
            %min3A_327 = arith.minui %bitcast3A_323, %add3A_326 : vector<16xi32>
            %bitcast3A_328 = vector.bitcast %min3A_327 : vector<16xi32> to vector<16xi32>
            %mul3A_329 = arith.constant 16 : i32
            %mul3A_330 = arith.muli %add3A_316, %mul3A_329 : i32
            %swap3A_331 = arith.index_cast %mul3A_330 : i32 to index
            %swap3A_332 = tpu.vector_load %arg9[%swap3A_331] {strides = array<i32>} : memref<3584xi32, #tpu.memory_space<vmem>>, vector<16xi32>,
            %swap3A_333 = vector.shape_cast %swap3A_332 : vector<16xi32> to vector<16xi32>
            %swap3A_334 = vector.shape_cast %bitcast3A_328 : vector<16xi32> to vector<16xi32>
            tpu.vector_store %arg9[%swap3A_331], %swap3A_334 {strides = array<i32>} : memref<3584xi32, #tpu.memory_space<vmem>>, vector<16xi32>,
            %mul3A_335 = arith.constant 16 : i32
            %mul3A_336 = arith.muli %scan3A_184, %mul3A_335 : i32
            %add3A_337 = arith.constant 7 : i32
            %add3A_338 = arith.addi %mul3A_336, %add3A_337 : i32
            %mul3A_339 = arith.constant 16 : i32
            %mul3A_340 = arith.muli %add3A_338, %mul3A_339 : i32
            %get3A_341 = arith.index_cast %mul3A_340 : i32 to index
            %get3A_342 = tpu.vector_load %arg9[%get3A_341] {strides = array<i32>} : memref<3584xi32, #tpu.memory_space<vmem>>, vector<16xi32>,
            %get3A_343 = vector.shape_cast %get3A_342 : vector<16xi32> to vector<16xi32>
            %sub3A_344 = arith.subi %get3A_343, %add3A_19 : vector<16xi32>
            %bitcast3A_345 = vector.bitcast %sub3A_344 : vector<16xi32> to vector<16xi32>
            %add3A_346 = arith.constant 7 : i32
            %add3A_347 = vector.broadcast %add3A_346 : i32 to vector<16xi32>
            %add3A_348 = arith.addi %bitcast3A, %add3A_347 : vector<16xi32>
            %min3A_349 = arith.minui %bitcast3A_345, %add3A_348 : vector<16xi32>
            %bitcast3A_350 = vector.bitcast %min3A_349 : vector<16xi32> to vector<16xi32>
            %mul3A_351 = arith.constant 16 : i32
            %mul3A_352 = arith.muli %add3A_338, %mul3A_351 : i32
            %swap3A_353 = arith.index_cast %mul3A_352 : i32 to index
            %swap3A_354 = tpu.vector_load %arg9[%swap3A_353] {strides = array<i32>} : memref<3584xi32, #tpu.memory_space<vmem>>, vector<16xi32>,
            %swap3A_355 = vector.shape_cast %swap3A_354 : vector<16xi32> to vector<16xi32>
            %swap3A_356 = vector.shape_cast %bitcast3A_350 : vector<16xi32> to vector<16xi32>
            tpu.vector_store %arg9[%swap3A_353], %swap3A_356 {strides = array<i32>} : memref<3584xi32, #tpu.memory_space<vmem>>, vector<16xi32>,
            %mul3A_357 = arith.constant 16 : i32
            %mul3A_358 = arith.muli %scan3A_184, %mul3A_357 : i32
            %add3A_359 = arith.constant 8 : i32
            %add3A_360 = arith.addi %mul3A_358, %add3A_359 : i32
            %mul3A_361 = arith.constant 16 : i32
            %mul3A_362 = arith.muli %add3A_360, %mul3A_361 : i32
            %get3A_363 = arith.index_cast %mul3A_362 : i32 to index
            %get3A_364 = tpu.vector_load %arg9[%get3A_363] {strides = array<i32>} : memref<3584xi32, #tpu.memory_space<vmem>>, vector<16xi32>,
            %get3A_365 = vector.shape_cast %get3A_364 : vector<16xi32> to vector<16xi32>
            %sub3A_366 = arith.subi %get3A_365, %add3A_19 : vector<16xi32>
            %bitcast3A_367 = vector.bitcast %sub3A_366 : vector<16xi32> to vector<16xi32>
            %add3A_368 = arith.constant 8 : i32
            %add3A_369 = vector.broadcast %add3A_368 : i32 to vector<16xi32>
            %add3A_370 = arith.addi %bitcast3A, %add3A_369 : vector<16xi32>
            %min3A_371 = arith.minui %bitcast3A_367, %add3A_370 : vector<16xi32>
            %bitcast3A_372 = vector.bitcast %min3A_371 : vector<16xi32> to vector<16xi32>
            %mul3A_373 = arith.constant 16 : i32
            %mul3A_374 = arith.muli %add3A_360, %mul3A_373 : i32
            %swap3A_375 = arith.index_cast %mul3A_374 : i32 to index
            %swap3A_376 = tpu.vector_load %arg9[%swap3A_375] {strides = array<i32>} : memref<3584xi32, #tpu.memory_space<vmem>>, vector<16xi32>,
            %swap3A_377 = vector.shape_cast %swap3A_376 : vector<16xi32> to vector<16xi32>
            %swap3A_378 = vector.shape_cast %bitcast3A_372 : vector<16xi32> to vector<16xi32>
            tpu.vector_store %arg9[%swap3A_375], %swap3A_378 {strides = array<i32>} : memref<3584xi32, #tpu.memory_space<vmem>>, vector<16xi32>,
            %mul3A_379 = arith.constant 16 : i32
            %mul3A_380 = arith.muli %scan3A_184, %mul3A_379 : i32
            %add3A_381 = arith.constant 9 : i32
            %add3A_382 = arith.addi %mul3A_380, %add3A_381 : i32
            %mul3A_383 = arith.constant 16 : i32
            %mul3A_384 = arith.muli %add3A_382, %mul3A_383 : i32
            %get3A_385 = arith.index_cast %mul3A_384 : i32 to index
            %get3A_386 = tpu.vector_load %arg9[%get3A_385] {strides = array<i32>} : memref<3584xi32, #tpu.memory_space<vmem>>, vector<16xi32>,
            %get3A_387 = vector.shape_cast %get3A_386 : vector<16xi32> to vector<16xi32>
            %sub3A_388 = arith.subi %get3A_387, %add3A_19 : vector<16xi32>
            %bitcast3A_389 = vector.bitcast %sub3A_388 : vector<16xi32> to vector<16xi32>
            %add3A_390 = arith.constant 9 : i32
            %add3A_391 = vector.broadcast %add3A_390 : i32 to vector<16xi32>
            %add3A_392 = arith.addi %bitcast3A, %add3A_391 : vector<16xi32>
            %min3A_393 = arith.minui %bitcast3A_389, %add3A_392 : vector<16xi32>
            %bitcast3A_394 = vector.bitcast %min3A_393 : vector<16xi32> to vector<16xi32>
            %mul3A_395 = arith.constant 16 : i32
            %mul3A_396 = arith.muli %add3A_382, %mul3A_395 : i32
            %swap3A_397 = arith.index_cast %mul3A_396 : i32 to index
            %swap3A_398 = tpu.vector_load %arg9[%swap3A_397] {strides = array<i32>} : memref<3584xi32, #tpu.memory_space<vmem>>, vector<16xi32>,
            %swap3A_399 = vector.shape_cast %swap3A_398 : vector<16xi32> to vector<16xi32>
            %swap3A_400 = vector.shape_cast %bitcast3A_394 : vector<16xi32> to vector<16xi32>
            tpu.vector_store %arg9[%swap3A_397], %swap3A_400 {strides = array<i32>} : memref<3584xi32, #tpu.memory_space<vmem>>, vector<16xi32>,
            %mul3A_401 = arith.constant 16 : i32
            %mul3A_402 = arith.muli %scan3A_184, %mul3A_401 : i32
            %add3A_403 = arith.constant 10 : i32
            %add3A_404 = arith.addi %mul3A_402, %add3A_403 : i32
            %mul3A_405 = arith.constant 16 : i32
            %mul3A_406 = arith.muli %add3A_404, %mul3A_405 : i32
            %get3A_407 = arith.index_cast %mul3A_406 : i32 to index
            %get3A_408 = tpu.vector_load %arg9[%get3A_407] {strides = array<i32>} : memref<3584xi32, #tpu.memory_space<vmem>>, vector<16xi32>,
            %get3A_409 = vector.shape_cast %get3A_408 : vector<16xi32> to vector<16xi32>
            %sub3A_410 = arith.subi %get3A_409, %add3A_19 : vector<16xi32>
            %bitcast3A_411 = vector.bitcast %sub3A_410 : vector<16xi32> to vector<16xi32>
            %add3A_412 = arith.constant 10 : i32
            %add3A_413 = vector.broadcast %add3A_412 : i32 to vector<16xi32>
            %add3A_414 = arith.addi %bitcast3A, %add3A_413 : vector<16xi32>
            %min3A_415 = arith.minui %bitcast3A_411, %add3A_414 : vector<16xi32>
            %bitcast3A_416 = vector.bitcast %min3A_415 : vector<16xi32> to vector<16xi32>
            %mul3A_417 = arith.constant 16 : i32
            %mul3A_418 = arith.muli %add3A_404, %mul3A_417 : i32
            %swap3A_419 = arith.index_cast %mul3A_418 : i32 to index
            %swap3A_420 = tpu.vector_load %arg9[%swap3A_419] {strides = array<i32>} : memref<3584xi32, #tpu.memory_space<vmem>>, vector<16xi32>,
            %swap3A_421 = vector.shape_cast %swap3A_420 : vector<16xi32> to vector<16xi32>
            %swap3A_422 = vector.shape_cast %bitcast3A_416 : vector<16xi32> to vector<16xi32>
            tpu.vector_store %arg9[%swap3A_419], %swap3A_422 {strides = array<i32>} : memref<3584xi32, #tpu.memory_space<vmem>>, vector<16xi32>,
            %mul3A_423 = arith.constant 16 : i32
            %mul3A_424 = arith.muli %scan3A_184, %mul3A_423 : i32
            %add3A_425 = arith.constant 11 : i32
            %add3A_426 = arith.addi %mul3A_424, %add3A_425 : i32
            %mul3A_427 = arith.constant 16 : i32
            %mul3A_428 = arith.muli %add3A_426, %mul3A_427 : i32
            %get3A_429 = arith.index_cast %mul3A_428 : i32 to index
            %get3A_430 = tpu.vector_load %arg9[%get3A_429] {strides = array<i32>} : memref<3584xi32, #tpu.memory_space<vmem>>, vector<16xi32>,
            %get3A_431 = vector.shape_cast %get3A_430 : vector<16xi32> to vector<16xi32>
            %sub3A_432 = arith.subi %get3A_431, %add3A_19 : vector<16xi32>
            %bitcast3A_433 = vector.bitcast %sub3A_432 : vector<16xi32> to vector<16xi32>
            %add3A_434 = arith.constant 11 : i32
            %add3A_435 = vector.broadcast %add3A_434 : i32 to vector<16xi32>
            %add3A_436 = arith.addi %bitcast3A, %add3A_435 : vector<16xi32>
            %min3A_437 = arith.minui %bitcast3A_433, %add3A_436 : vector<16xi32>
            %bitcast3A_438 = vector.bitcast %min3A_437 : vector<16xi32> to vector<16xi32>
            %mul3A_439 = arith.constant 16 : i32
            %mul3A_440 = arith.muli %add3A_426, %mul3A_439 : i32
            %swap3A_441 = arith.index_cast %mul3A_440 : i32 to index
            %swap3A_442 = tpu.vector_load %arg9[%swap3A_441] {strides = array<i32>} : memref<3584xi32, #tpu.memory_space<vmem>>, vector<16xi32>,
            %swap3A_443 = vector.shape_cast %swap3A_442 : vector<16xi32> to vector<16xi32>
            %swap3A_444 = vector.shape_cast %bitcast3A_438 : vector<16xi32> to vector<16xi32>
            tpu.vector_store %arg9[%swap3A_441], %swap3A_444 {strides = array<i32>} : memref<3584xi32, #tpu.memory_space<vmem>>, vector<16xi32>,
            %mul3A_445 = arith.constant 16 : i32
            %mul3A_446 = arith.muli %scan3A_184, %mul3A_445 : i32
            %add3A_447 = arith.constant 12 : i32
            %add3A_448 = arith.addi %mul3A_446, %add3A_447 : i32
            %mul3A_449 = arith.constant 16 : i32
            %mul3A_450 = arith.muli %add3A_448, %mul3A_449 : i32
            %get3A_451 = arith.index_cast %mul3A_450 : i32 to index
            %get3A_452 = tpu.vector_load %arg9[%get3A_451] {strides = array<i32>} : memref<3584xi32, #tpu.memory_space<vmem>>, vector<16xi32>,
            %get3A_453 = vector.shape_cast %get3A_452 : vector<16xi32> to vector<16xi32>
            %sub3A_454 = arith.subi %get3A_453, %add3A_19 : vector<16xi32>
            %bitcast3A_455 = vector.bitcast %sub3A_454 : vector<16xi32> to vector<16xi32>
            %add3A_456 = arith.constant 12 : i32
            %add3A_457 = vector.broadcast %add3A_456 : i32 to vector<16xi32>
            %add3A_458 = arith.addi %bitcast3A, %add3A_457 : vector<16xi32>
            %min3A_459 = arith.minui %bitcast3A_455, %add3A_458 : vector<16xi32>
            %bitcast3A_460 = vector.bitcast %min3A_459 : vector<16xi32> to vector<16xi32>
            %mul3A_461 = arith.constant 16 : i32
            %mul3A_462 = arith.muli %add3A_448, %mul3A_461 : i32
            %swap3A_463 = arith.index_cast %mul3A_462 : i32 to index
            %swap3A_464 = tpu.vector_load %arg9[%swap3A_463] {strides = array<i32>} : memref<3584xi32, #tpu.memory_space<vmem>>, vector<16xi32>,
            %swap3A_465 = vector.shape_cast %swap3A_464 : vector<16xi32> to vector<16xi32>
            %swap3A_466 = vector.shape_cast %bitcast3A_460 : vector<16xi32> to vector<16xi32>
            tpu.vector_store %arg9[%swap3A_463], %swap3A_466 {strides = array<i32>} : memref<3584xi32, #tpu.memory_space<vmem>>, vector<16xi32>,
            %mul3A_467 = arith.constant 16 : i32
            %mul3A_468 = arith.muli %scan3A_184, %mul3A_467 : i32
            %add3A_469 = arith.constant 13 : i32
            %add3A_470 = arith.addi %mul3A_468, %add3A_469 : i32
            %mul3A_471 = arith.constant 16 : i32
            %mul3A_472 = arith.muli %add3A_470, %mul3A_471 : i32
            %get3A_473 = arith.index_cast %mul3A_472 : i32 to index
            %get3A_474 = tpu.vector_load %arg9[%get3A_473] {strides = array<i32>} : memref<3584xi32, #tpu.memory_space<vmem>>, vector<16xi32>,
            %get3A_475 = vector.shape_cast %get3A_474 : vector<16xi32> to vector<16xi32>
            %sub3A_476 = arith.subi %get3A_475, %add3A_19 : vector<16xi32>
            %bitcast3A_477 = vector.bitcast %sub3A_476 : vector<16xi32> to vector<16xi32>
            %add3A_478 = arith.constant 13 : i32
            %add3A_479 = vector.broadcast %add3A_478 : i32 to vector<16xi32>
            %add3A_480 = arith.addi %bitcast3A, %add3A_479 : vector<16xi32>
            %min3A_481 = arith.minui %bitcast3A_477, %add3A_480 : vector<16xi32>
            %bitcast3A_482 = vector.bitcast %min3A_481 : vector<16xi32> to vector<16xi32>
            %mul3A_483 = arith.constant 16 : i32
            %mul3A_484 = arith.muli %add3A_470, %mul3A_483 : i32
            %swap3A_485 = arith.index_cast %mul3A_484 : i32 to index
            %swap3A_486 = tpu.vector_load %arg9[%swap3A_485] {strides = array<i32>} : memref<3584xi32, #tpu.memory_space<vmem>>, vector<16xi32>,
            %swap3A_487 = vector.shape_cast %swap3A_486 : vector<16xi32> to vector<16xi32>
            %swap3A_488 = vector.shape_cast %bitcast3A_482 : vector<16xi32> to vector<16xi32>
            tpu.vector_store %arg9[%swap3A_485], %swap3A_488 {strides = array<i32>} : memref<3584xi32, #tpu.memory_space<vmem>>, vector<16xi32>,
            %mul3A_489 = arith.constant 16 : i32
            %mul3A_490 = arith.muli %scan3A_184, %mul3A_489 : i32
            %add3A_491 = arith.constant 14 : i32
            %add3A_492 = arith.addi %mul3A_490, %add3A_491 : i32
            %mul3A_493 = arith.constant 16 : i32
            %mul3A_494 = arith.muli %add3A_492, %mul3A_493 : i32
            %get3A_495 = arith.index_cast %mul3A_494 : i32 to index
            %get3A_496 = tpu.vector_load %arg9[%get3A_495] {strides = array<i32>} : memref<3584xi32, #tpu.memory_space<vmem>>, vector<16xi32>,
            %get3A_497 = vector.shape_cast %get3A_496 : vector<16xi32> to vector<16xi32>
            %sub3A_498 = arith.subi %get3A_497, %add3A_19 : vector<16xi32>
            %bitcast3A_499 = vector.bitcast %sub3A_498 : vector<16xi32> to vector<16xi32>
            %add3A_500 = arith.constant 14 : i32
            %add3A_501 = vector.broadcast %add3A_500 : i32 to vector<16xi32>
            %add3A_502 = arith.addi %bitcast3A, %add3A_501 : vector<16xi32>
            %min3A_503 = arith.minui %bitcast3A_499, %add3A_502 : vector<16xi32>
            %bitcast3A_504 = vector.bitcast %min3A_503 : vector<16xi32> to vector<16xi32>
            %mul3A_505 = arith.constant 16 : i32
            %mul3A_506 = arith.muli %add3A_492, %mul3A_505 : i32
            %swap3A_507 = arith.index_cast %mul3A_506 : i32 to index
            %swap3A_508 = tpu.vector_load %arg9[%swap3A_507] {strides = array<i32>} : memref<3584xi32, #tpu.memory_space<vmem>>, vector<16xi32>,
            %swap3A_509 = vector.shape_cast %swap3A_508 : vector<16xi32> to vector<16xi32>
            %swap3A_510 = vector.shape_cast %bitcast3A_504 : vector<16xi32> to vector<16xi32>
            tpu.vector_store %arg9[%swap3A_507], %swap3A_510 {strides = array<i32>} : memref<3584xi32, #tpu.memory_space<vmem>>, vector<16xi32>,
            %mul3A_511 = arith.constant 16 : i32
            %mul3A_512 = arith.muli %scan3A_184, %mul3A_511 : i32
            %add3A_513 = arith.constant 15 : i32
            %add3A_514 = arith.addi %mul3A_512, %add3A_513 : i32
            %mul3A_515 = arith.constant 16 : i32
            %mul3A_516 = arith.muli %add3A_514, %mul3A_515 : i32
            %get3A_517 = arith.index_cast %mul3A_516 : i32 to index
            %get3A_518 = tpu.vector_load %arg9[%get3A_517] {strides = array<i32>} : memref<3584xi32, #tpu.memory_space<vmem>>, vector<16xi32>,
            %get3A_519 = vector.shape_cast %get3A_518 : vector<16xi32> to vector<16xi32>
            %sub3A_520 = arith.subi %get3A_519, %add3A_19 : vector<16xi32>
            %bitcast3A_521 = vector.bitcast %sub3A_520 : vector<16xi32> to vector<16xi32>
            %add3A_522 = arith.constant 15 : i32
            %add3A_523 = vector.broadcast %add3A_522 : i32 to vector<16xi32>
            %add3A_524 = arith.addi %bitcast3A, %add3A_523 : vector<16xi32>
            %min3A_525 = arith.minui %bitcast3A_521, %add3A_524 : vector<16xi32>
            %bitcast3A_526 = vector.bitcast %min3A_525 : vector<16xi32> to vector<16xi32>
            %mul3A_527 = arith.constant 16 : i32
            %mul3A_528 = arith.muli %add3A_514, %mul3A_527 : i32
            %swap3A_529 = arith.index_cast %mul3A_528 : i32 to index
            %swap3A_530 = tpu.vector_load %arg9[%swap3A_529] {strides = array<i32>} : memref<3584xi32, #tpu.memory_space<vmem>>, vector<16xi32>,
            %swap3A_531 = vector.shape_cast %swap3A_530 : vector<16xi32> to vector<16xi32>
            %swap3A_532 = vector.shape_cast %bitcast3A_526 : vector<16xi32> to vector<16xi32>
            tpu.vector_store %arg9[%swap3A_529], %swap3A_532 {strides = array<i32>} : memref<3584xi32, #tpu.memory_space<vmem>>, vector<16xi32>,
          }
          %scan3A_169 = arith.constant 14 : i32
          %dma_start3A_170 = arith.constant 0 : i32
          %dma_start3A_171 = tpu.memref_slice %arg14[%dma_start3A_170] : memref<1605888xf32, #tpu.memory_space<vmem_shared>> -> memref<1605888xf32, #tpu.memory_space<vmem_shared>>
          tpu.enqueue_indirect_dma source(%arg13 : memref<3584xf32, #tpu.memory_space<vmem>>) target(%dma_start3A_171 : memref<1605888xf32, #tpu.memory_space<vmem_shared>>) offsets(%arg9 : memref<3584xi32, #tpu.memory_space<vmem>>) semaphore(%arg22 : memref<!tpu.dma_semaphore, #tpu.memory_space<semaphore_mem>>) {add = true}
          %ge3A_172 = arith.constant 2 : i32
          %ge3A_173 = arith.cmpi sge, %add3A_154, %ge3A_172 : i32
          %convert_element_type3A_174 = arith.extui %ge3A_173 : i1 to i32
          %cond3A_175 = arith.constant 0 : i32
          %cond3A_176 = arith.cmpi ne, %convert_element_type3A_174, %cond3A_175 : i32
          scf.if %cond3A_176 {
            %dma_wait3A_184 = arith.constant 0 : i32
            %dma_wait3A_185 = tpu.memref_slice %arg14[%dma_wait3A_184] : memref<1605888xf32, #tpu.memory_space<vmem_shared>> -> memref<1605888xf32, #tpu.memory_space<vmem_shared>>
            tpu.wait_indirect_dma semaphore(%arg20 : memref<!tpu.dma_semaphore, #tpu.memory_space<semaphore_mem>>) src(%arg11 : memref<3584xf32, #tpu.memory_space<vmem>>) dst(%dma_wait3A_185 : memref<1605888xf32, #tpu.memory_space<vmem_shared>>)
          } else {
          }
          %add3A_177 = arith.constant 2 : i32
          %add3A_178 = arith.addi %add3A_154, %add3A_177 : i32
          %lt3A_179 = arith.constant 168 : i32
          %lt3A_180 = arith.cmpi slt, %add3A_178, %lt3A_179 : i32
          %convert_element_type3A_181 = arith.extui %lt3A_180 : i1 to i32
          %cond3A_182 = arith.constant 0 : i32
          %cond3A_183 = arith.cmpi ne, %convert_element_type3A_181, %cond3A_182 : i32
          scf.if %cond3A_183 {
            %add3A_184 = arith.constant 2 : i32
            %add3A_185 = arith.addi %add3A_154, %add3A_184 : i32
            %mul3A_186 = arith.constant 602112 : i32
            %mul3A_187 = arith.muli %arg1, %mul3A_186 : i32
            %mul3A_188 = arith.constant 3584 : i32
            %mul3A_189 = arith.muli %add3A_185, %mul3A_188 : i32
            %add3A_190 = arith.addi %mul3A_187, %mul3A_189 : i32
            %dma_start3A_191 = tpu.memref_slice %arg2[%add3A_190] : memref<9633792xi32, #tpu.memory_space<hbm>> -> memref<3584xi32, #tpu.memory_space<hbm>>
            %dma_start3A_192 = tpu.memref_slice %arg2[%add3A_190] : memref<9633792xi32, #tpu.memory_space<hbm>> -> memref<3584xi32, #tpu.memory_space<hbm>>
            tpu.enqueue_dma source(%dma_start3A_192 : memref<3584xi32, #tpu.memory_space<hbm>>) target(%arg7 : memref<3584xi32, #tpu.memory_space<vmem>>) target_semaphore(%arg16 : memref<!tpu.dma_semaphore, #tpu.memory_space<semaphore_mem>>)
            %dma_start3A_193 = tpu.memref_slice %arg3[%add3A_190] : memref<9633792xf32, #tpu.memory_space<hbm>> -> memref<3584xf32, #tpu.memory_space<hbm>>
            %dma_start3A_194 = tpu.memref_slice %arg3[%add3A_190] : memref<9633792xf32, #tpu.memory_space<hbm>> -> memref<3584xf32, #tpu.memory_space<hbm>>
            tpu.enqueue_dma source(%dma_start3A_194 : memref<3584xf32, #tpu.memory_space<hbm>>) target(%arg11 : memref<3584xf32, #tpu.memory_space<vmem>>) target_semaphore(%arg16 : memref<!tpu.dma_semaphore, #tpu.memory_space<semaphore_mem>>)
          } else {
          }
        }
        %scan3A_42 = arith.constant 42 : i32
        %dma_wait3A = arith.constant 0 : i32
        %dma_wait3A_43 = tpu.memref_slice %arg14[%dma_wait3A] : memref<1605888xf32, #tpu.memory_space<vmem_shared>> -> memref<1605888xf32, #tpu.memory_space<vmem_shared>>
        tpu.wait_indirect_dma semaphore(%arg21 : memref<!tpu.dma_semaphore, #tpu.memory_space<semaphore_mem>>) src(%arg12 : memref<3584xf32, #tpu.memory_space<vmem>>) dst(%dma_wait3A_43 : memref<1605888xf32, #tpu.memory_space<vmem_shared>>)
        %dma_wait3A_44 = arith.constant 0 : i32
        %dma_wait3A_45 = tpu.memref_slice %arg14[%dma_wait3A_44] : memref<1605888xf32, #tpu.memory_space<vmem_shared>> -> memref<1605888xf32, #tpu.memory_space<vmem_shared>>
        tpu.wait_indirect_dma semaphore(%arg22 : memref<!tpu.dma_semaphore, #tpu.memory_space<semaphore_mem>>) src(%arg13 : memref<3584xf32, #tpu.memory_space<vmem>>) dst(%dma_wait3A_45 : memref<1605888xf32, #tpu.memory_space<vmem_shared>>)
        %barrier3A_46 = arith.constant 0 : index
        tpu.barrier barrier_id(%barrier3A_46)
        %mul3A_47 = arith.constant 100352 : i32
        %mul3A_48 = arith.muli %arg1, %mul3A_47 : i32
        %mul3A_49 = arith.constant 100352 : i32
        %mul3A_50 = arith.muli %arg1, %mul3A_49 : i32
        %add3A_51 = arith.addi %mul3A_16, %mul3A_50 : i32
        "tpu.region"() ({
          %run_scoped3A = tpu.sem_alloc : memref<!tpu.dma_semaphore, #tpu.memory_space<semaphore_mem>>
          %dma_start3A_52 = tpu.memref_slice %arg5[%add3A_51] : memref<38535168xf32, #tpu.memory_space<hbm>> -> memref<100352xf32, #tpu.memory_space<hbm>>
          %dma_start3A_53 = tpu.memref_slice %arg14[%mul3A_48] : memref<1605888xf32, #tpu.memory_space<vmem_shared>> -> memref<100352xf32, #tpu.memory_space<vmem_shared>>
          tpu.enqueue_dma source(%dma_start3A_53 : memref<100352xf32, #tpu.memory_space<vmem_shared>>) target(%dma_start3A_52 : memref<100352xf32, #tpu.memory_space<hbm>>) target_semaphore(%run_scoped3A : memref<!tpu.dma_semaphore, #tpu.memory_space<semaphore_mem>>)
          %dma_wait3A_54 = tpu.memref_slice %arg5[%add3A_51] : memref<38535168xf32, #tpu.memory_space<hbm>> -> memref<100352xf32, #tpu.memory_space<hbm>>
          %dma_wait3A_55 = tpu.memref_slice %arg14[%mul3A_48] : memref<1605888xf32, #tpu.memory_space<vmem_shared>> -> memref<100352xf32, #tpu.memory_space<vmem_shared>>
          tpu.wait_dma2 semaphore(%run_scoped3A : memref<!tpu.dma_semaphore, #tpu.memory_space<semaphore_mem>>) src(%dma_wait3A_55 : memref<100352xf32, #tpu.memory_space<vmem_shared>>) dst(%dma_wait3A_54 : memref<100352xf32, #tpu.memory_space<hbm>>)
          tpu.yield
        }) : () -> ()
      } else {
      }
    }
    %scan3A_8 = arith.constant 12 : i32
    return
  }
}

</mosaic_0001>

<sc_bundles>
// kernel: kernel.3.cloned.1.call-start
scs
__scs_entry_jumppad:
0x0: {  	(pc) =	sbr.rel $0x88, $3  }
0x1: {  	(tag) =	ssettag $0x0;
	lr =	simm.s32 $0x1  }
0x2: {  	[smem:$0x3F9F] =	sst lr;
	_ =	strace $0xD0000000  }
0x3: {  	_ = 	snop  }
0x4: {  	_ = 	snop  }
0x5: {  	_ = 	snop  }
0x6: {  	_ = 	snop  }
0x7: {  	_ = 	snop  }
__scs_overlays_trampoline_lowered:
0x8: {  	[smem:$0x3FAE] =	sst s0  }
0x9: {  	[smem:$0x3FAF] =	sst s1  }
0xa: {  	[smem:$0x3FB0] =	sst s2  }
0xb: {  	[smem:$0x3FB1] =	sst s3  }
0xc: {  	[smem:$0x3FB2] =	sst s4  }
0xd: {  	[smem:$0x3FB3] =	sst s5  }
0xe: {  	[smem:$0x3FB4] =	sst s6  }
0xf: {  	[smem:$0x3FB5] =	sst s7  }
0x10: {  	[smem:$0x3FB6] =	sst s8  }
0x11: {  	[smem:$0x3FB7] =	sst s9;
	s0 =	simm.s32 @!p0 $0x0  }
0x12: {  	s1 =	sld [smem:$0x3F9D];
	s0 =	simm.s32 @p0 $0x1  }
0x13: {  	[smem:$0x3FB8] =	sst s0;
	s0 =	simm.s32 @!p1 $0x0  }
0x14: {  	s2 =	sld [smem:$0x3F9C];
	s0 =	simm.s32 @p1 $0x1  }
0x15: {  	[smem:$0x3FB9] =	sst s0;
	s0 =	simm.s32 @!p2 $0x0  }
0x16: {  	s3 =	sld [smem:$0x3FDB];
	s0 =	simm.s32 @p2 $0x1  }
0x17: {  	s4 =	simm.s32 $0x1BF5;
	[smem:$0x3FBB] =	sst s0  }
0x18: {  	s0 =	sld [smem:$0x3F9E];
	_ =	swait.ge [sflag:s4], $0x0  }
0x19: {  	s7 =	sld [smem:$0x3F9F]  }
0x1a: {  	s8 =	sadd.s32 $0xFFFFE003, lr  }
0x1b: {  	s9 =	sadd.s32 $0xFFFFFEF7, lr;
	s5 =	simm.s32 $0xFFFFFFFF;
	p2 =	slt.u32 s8, $0xFFFFF086  }
0x1c: {  	p1 =	slt.u32 s9, $0xF7A;
	s5 =	simm.s32 @!p2 $0x0  }
0x1d: {  	s5 =	simm.s32 @p1 $0x1;
	p0 =	seq.s32 s7, s2  }
0x1e: {  	s7 =	smul.u32 @!p0 $0xF7A, s2;
	p2 =	seq.s32 @!p0 s5, $0x0  }
0x1f: {  	s9 =	smul.u32 $0xF7A, s1;
	s8 =	simm.s32 @!p0 $0x1BF5;
	p2 =	por !p2, p0  }
0x20: {  	[sflag:s8] =	ssyncset.s32 @!p0 $0xFFFFF086;
	s6 =	sadd.s32 @!p0 s3, s7;
	s7 =	simm.s32 @!p0 $0x108  }
0x21: {  	s3 =	sadd.s32 s3, s9;
	s6 =	sadd.s32 @!p0 $0x88, s6;
	s7 =	simm.s32 @p2 $0x1082  }
0x22: {  	[simem:s7], [sflag:s8] =	dma.local @!p0 [hbm:s6], $0xF7A  }
0x23: {  	s9 =	sor.u32 $0xD0000000, s2;
	s6 =	simm.s32 $0x108;
	_ =	swait.ge @!p0 [sflag:s8], $0x0  }
0x24: {  	s3 =	sadd.s32 $0x88, s3;
	s6 =	simm.s32 @!p1 $0x1082;
	[sflag:s4] =	ssyncset.s32 $0xFFFFF086  }
0x25: {  	[simem:s6], [sflag:s4] =	dma.local [hbm:s3], $0xF7A  }
0x26: {  	[smem:$0x3F9F] =	sst s1;
	(tag) =	ssettag s2;
	_ =	strace s9  }
0x27: {  	s1 =	sld [smem:$0x3FAF]  }
0x28: {  	s2 =	sld [smem:$0x3FB0]  }
0x29: {  	s4 =	sld [smem:$0x3FB2]  }
0x2a: {  	p0 =	seq.s32 s5, $0x0;
	s5 =	sld [smem:$0x3FB3]  }
0x2b: {  	s6 =	sld [smem:$0x3FB4]  }
0x2c: {  	s7 =	sld [smem:$0x3FB5]  }
0x2d: {  	s3 =	simm.s32 $0x108;
	s8 =	sld [smem:$0x3FB6]  }
0x2e: {  	s3 =	simm.s32 @!p0 $0x1082;
	s9 =	sld [smem:$0x3FB7]  }
0x2f: {  	lr =	sadd.s32 s0, s3;
	s0 =	sld [smem:$0x3FAE]  }
0x30: {  	s3 =	sld [smem:$0x3FB1]  }
0x31: {  	[smem:$0x3FBA] =	sst s10  }
0x32: {  	s10 =	sld [smem:$0x3FB8];
	_ =	sdelay $0x3  }
0x33: {  	p0 =	seq.s32 s10, $0x1;
	s10 =	sld [smem:$0x3FBA];
	_ =	sdelay $0x3  }
0x34: {  	[smem:$0x3FBA] =	sst s10  }
0x35: {  	s10 =	sld [smem:$0x3FB9];
	_ =	sdelay $0x3  }
0x36: {  	p1 =	seq.s32 s10, $0x1;
	s10 =	sld [smem:$0x3FBA];
	_ =	sdelay $0x3  }
0x37: {  	[smem:$0x3FBA] =	sst s10  }
0x38: {  	s10 =	sld [smem:$0x3FBB]  }
0x39: {  	_ = 	snop;
	(pc) =	sbr.ind lr, $3  }
0x3a: {  	_ = 	snop  }
0x3b: {  	_ = 	snop  }
0x3c: {  	p2 =	seq.s32 s10, $0x1;
	s10 =	sld [smem:$0x3FBA]  }
0x3d: {  	_ =	shalt  }
0x3e: {  	_ =	shalt  }
0x3f: {  	_ =	shalt  }
0x40: {  	_ =	shalt  }
0x41: {  	_ =	shalt  }
0x42: {  	_ =	shalt  }
0x43: {  	_ =	shalt  }
0x44: {  	_ =	shalt  }
0x45: {  	_ =	shalt  }
0x46: {  	_ =	shalt  }
0x47: {  	_ =	shalt  }
0x48: {  	_ =	shalt  }
0x49: {  	_ =	shalt  }
0x4a: {  	_ =	shalt  }
0x4b: {  	_ =	shalt  }
0x4c: {  	_ =	shalt  }
0x4d: {  	_ =	shalt  }
0x4e: {  	_ =	shalt  }
0x4f: {  	_ =	shalt  }
0x50: {  	_ =	shalt  }
0x51: {  	_ =	shalt  }
0x52: {  	_ =	shalt  }
0x53: {  	_ =	shalt  }
0x54: {  	_ =	shalt  }
0x55: {  	_ =	shalt  }
0x56: {  	_ =	shalt  }
0x57: {  	_ =	shalt  }
0x58: {  	_ =	shalt  }
0x59: {  	_ =	shalt  }
0x5a: {  	_ =	shalt  }
0x5b: {  	_ =	shalt  }
0x5c: {  	_ =	shalt  }
0x5d: {  	_ =	shalt  }
0x5e: {  	_ =	shalt  }
0x5f: {  	_ =	shalt  }
0x60: {  	_ =	shalt  }
0x61: {  	_ =	shalt  }
0x62: {  	_ =	shalt  }
0x63: {  	_ =	shalt  }
0x64: {  	_ =	shalt  }
0x65: {  	_ =	shalt  }
0x66: {  	_ =	shalt  }
0x67: {  	_ =	shalt  }
0x68: {  	_ =	shalt  }
0x69: {  	_ =	shalt  }
0x6a: {  	_ =	shalt  }
0x6b: {  	_ =	shalt  }
0x6c: {  	_ =	shalt  }
0x6d: {  	_ =	shalt  }
0x6e: {  	_ =	shalt  }
0x6f: {  	_ =	shalt  }
0x70: {  	_ =	shalt  }
0x71: {  	_ =	shalt  }
0x72: {  	_ =	shalt  }
0x73: {  	_ =	shalt  }
0x74: {  	_ =	shalt  }
0x75: {  	_ =	shalt  }
0x76: {  	_ =	shalt  }
0x77: {  	_ =	shalt  }
0x78: {  	_ =	shalt  }
0x79: {  	_ =	shalt  }
0x7a: {  	_ =	shalt  }
0x7b: {  	_ =	shalt  }
0x7c: {  	_ =	shalt  }
0x7d: {  	_ =	shalt  }
0x7e: {  	_ =	shalt  }
0x7f: {  	_ =	shalt  }
0x80: {  	_ =	shalt  }
0x81: {  	_ =	shalt  }
0x82: {  	_ =	shalt  }
0x83: {  	_ =	shalt  }
0x84: {  	_ =	shalt  }
0x85: {  	_ =	shalt  }
0x86: {  	_ =	shalt  }
0x87: {  	_ =	shalt  }
.Lfunc_end0:
.L_simem_size_0:
called_computation.1_lowered:
.L_overlay_start_0:
0x88: {  	s2 =	sld [smem:$0x3FD9]  }
0x89: {  	s3 =	sld [smem:$0x3FFE];
	_ =	sdelay $0x1  }
0x8a: {  	s1 =	srdreg.scid  }
0x8b: {  	s0 =	sand.u32 $0x1, s1  }
0x8c: {  	s17 =	sshll.u32 s0, $0xA;
	s2 =	sadd.s32 s3, s2  }
0x8d: {  	s2 =	sadd.s32 s2, s17  }
0x8e: {  	[smem:$0x3FC6] =	sst s2  }
0x8f: {  	_ = 	snop  }
0x90: {  	s2 =	sld [smem:$0x3FD0];
	(tm) =	ssettm $0x1  }
0x91: {  	s18 =	sld [smem:$0x3FFB];
	_ =	sdelay $0x3  }
0x92: {  	_ =	strace s18  }
0x93: {  	s3 =	sld [smem:$0x3FFC];
	_ =	sdelay $0x3  }
0x94: {  	_ =	strace s3  }
0x95: {  	s3 =	sld [smem:$0x3FFD];
	_ =	sdelay $0x3  }
0x96: {  	_ =	strace s3  }
0x97: {  	_ =	strace $0x8FFFFFFF  }
0x98: {  	s19 =	sld [smem:$0x3FDB];
	_ =	sdelay $0x1  }
0x99: {  	s4 =	simm.s32 $_scs_section_size  }
0x9a: {  	s5 =	simm.s32 $_size__tile_overlayer_lowered;
	s6 =	simm.s32 $_tile_overlayer_lowered  }
0x9b: {  	s22 =	simm.s32 $0x1BFF;
	s21 =	sshll.u32 s6, $0x1;
	s3 =	sadd.s32 s4, s19  }
0x9c: {  	s7 =	simm.s32 $0x0;
	s20 =	sshll.u32 s5, $0x1;
	s5 =	sadd.s32 s21, s3  }
0x9d: {  	[timem:s7], [sflag:s22] =	dma.local [hbm:s5], s20  }
0x9e: {  	_ =	swait.ge [sflag:s22], s20  }
0x9f: {  	s4 =	ssub.s32 $0x0, s20;
	[sflag:s22] =	ssyncset.done $0x0  }
0xa0: {  	[sflag:s22] =	ssyncadd.s32 s4;
	_ =	sdelay $0x1  }
0xa1: {  	s23 =	simm.s32 $0x1B8B  }
0xa2: {  	_ =	swait.ge [sflag:s23], $0x1  }
0xa3: {  	[sflag:s23] =	ssyncset.done $0x0  }
0xa4: {  	s25 =	simm.s32 $0x1B8E;
	s24 =	sld [smem:$0x3FFE];
	[sflag:s23] =	ssyncadd.s32 $0xFFFFFFFF  }
0xa5: {  	s26 =	simm.s32 $execute0_lowered;
	[smem:$0x3FD2] =	sst s25  }
0xa6: {  	s5 =	sshll.u32 s26, $0x1;
	_ =	strace $0x80000046;
	[dreg:$0x1] =	wrdreg $0xFFFFFFFF  }
0xa7: {  	s28 =	simm.s32 $_size_execute0_lowered;
	s3 =	sadd.s32 s3, s5;
	[dreg:$0x0] =	wrdreg $0x0  }
0xa8: {  	s5 =	sshll.u32 s28, $0x1;
	[dreg:$0x2] =	wrdreg s3  }
0xa9: {  	[dreg:$0x3] =	wrdreg s5  }
0xaa: {  	[dreg:$0x4] =	wrdreg $0xC0  }
0xab: {  	_ =	task [dreg:s7], $0x5FFFF  }
0xac: {  	[dreg:$0x1] =	wrdreg $0xFFFFFFFF  }
0xad: {  	[dreg:$0x0] =	wrdreg $0x60  }
0xae: {  	[dreg:$0x2] =	wrdreg s24  }
0xaf: {  	[dreg:$0x3] =	wrdreg s2  }
0xb0: {  	[dreg:$0x4] =	wrdreg $0x70000  }
0xb1: {  	[dreg:$0x5] =	wrdreg $0x9  }
0xb2: {  	_ =	task.clear_ibuf [dreg:s7], $0x6FFFF;
	_ =	strace $0x90000046  }
0xb3: {  	s29 =	simm.s32 $0x9;
	_ =	strace $0x80000048  }
0xb4: {  	_ =	swait.ge [sflag:s29], $0x1  }
0xb5: {  	[sflag:s29] =	ssyncadd.s32 $0xFFFFFFFF  }
0xb6: {  	_ =	strace $0x90000048  }
0xb7: {  	_ =	sfence  }
0xb8: {  	s30 =	sld [smem:$0x0];
	_ =	sdelay $0x2  }
0xb9: {  	s31 =	sshll.u32 s1, $0xD;
	s1 =	sshrl.u32 s1, $0x2  }
0xba: {  	s3 =	sand.u32 $0x4000, s31;
	s1 =	sadd.s32 s1, s30  }
0xbb: {  	s0 =	sor.u32 s3, s0;
	s1 =	sshll.u32 s1, $0x11  }
0xbc: {  	s0 =	sor.u32 s1, s0  }
0xbd: {  	s0 =	sadd.s32 $0x8F2B, s0  }
0xbe: {  	[sflag:s0] =	ssyncadd.remote.s32 $0x1  }
0xbf: {  	_ =	sfence.sel $0xFFFF  }
0xc0: {  	[dreg:$0x0] =	wrdreg $0xFFFFFFFF;
	(pc) =	sbr.abs _section_cstart, $3  }
0xc1: {  	[dreg:$0x1] =	wrdreg $0xFFFFFFFF  }
0xc2: {  	_ =	task.clear_ibuf [dreg:s7], $0x2FFFF;
	_ =	strace $0x9FFFFFFF  }
0xc3: {  	(tm) =	ssettm $0x7FFFFFFF  }
tec
execute0_lowered:
.L_overlay_start_1:
0x0: {  	(tag) =	ssettag $0x1  }
0x1: {  	s0 =	rddreg [dreg:$0x0]  }
0x2: {  	s2 =	rddreg [dreg:$0x2];
	s4 =	simm.s32 $0x0;
	s1 =	srdreg.scid  }
0x3: {  	s8 =	stileid.u32;
	s28 =	simm.s32 $0x1C00;
	s29 =	simm.s32 $0x5400  }
0x4: {  	s30 =	simm.s32 $0x2;
	s31 =	simm.s32 $0x2A00;
	s9 =	simm.s32 $0x8  }
0x5: {  	s10 =	simm.s32 $0x9;
	s11 =	simm.s32 $0x0;
	[smem:$0x7FF] =	sst s4  }
0x6: {  	s3 =	sand.u32 $0x1, s1;
	s19 =	smul.u32 $0x93000, s8;
	s6 =	sadd.s32 $0x126800, s0  }
0x7: {  	s7 =	sadd.s32 $0x800, s0;
	s0 =	sadd.s32 $0x24C800, s0;
	s24 =	sshll.u32 s8, $0x6  }
0x8: {  	s8 =	smul.u32 $0x18800, s8;
	_ =	strace $0x80000047;
	[dreg:$0x4] =	wrdreg s3  }
0x9: {  	s1 =	simm.s32 $0x4;
	s3 =	ssub.s32 $0x2, s3;
	[dreg:$0x5] =	wrdreg s0  }
0xa: {  	[dreg:$0x9] =	wrdreg s24;
	s20 =	sshrl.u32 s3, $0x1;
	s5 =	sshrl.u32 s19, $0x3  }
0xb: {  	v0 =	vlaneseq.u32;
	s15 =	sadd.s32 $0x1C00, s19;
	s16 =	sadd.s32 $0x2A00, s19;
	s17 =	sadd.s32 $0x3800, s19  }
0xc: {  	v15 =	vmul.u32 $0x8, v0;
	s18 =	sadd.s32 $0x4600, s19;
	s19 =	simm.s32 $0x3800;
	[dreg:$0xa] =	wrdreg s8  }
0xd: {  	s26 =	sadd.s32 s8, s2;
	s0 =	ssub.s32 s3, s20;
	s21 =	sadd.s32 s6, s5  }
0xe: {  	v0 =	vor.u32 $0x188001, v15;
	v1 =	vor.u32 $0x188002, v15;
	s22 =	sor.u32 $0x1C0, s5;
	s5 =	sadd.s32 s7, s5;
	[dreg:$0xd] =	wrdreg s26  }
0xf: {  	v2 =	vor.u32 $0x188003, v15;
	v3 =	vor.u32 $0x188004, v15;
	s20 =	simm.s32 $0xE00;
	s26 =	simm.s32 $0x1;
	[dreg:$0x6] =	wrdreg s21  }
.Ltmp0:
0x10: {  	v4 =	vor.u32 $0x188005, v15;
	v5 =	vor.u32 $0x188006, v15;
	[dreg:$0x7] =	wrdreg s5;
	s23 =	sadd.s32 s6, s22;
	(pc) =	sbr.rel .LBB2_1-.Ltmp0, $4  }
0x11: {  	v6 =	vor.u32 $0x188007, v15;
	v7 =	vadd.s32 $0x188008, v15;
	s3 =	simm.s32 $0x3;
	s5 =	sor.u32 $0x1C0A, s24;
	[dreg:$0x8] =	wrdreg s23  }
0x12: {  	v8 =	vadd.s32 $0x188009, v15;
	v9 =	vadd.s32 $0x18800A, v15;
	s21 =	simm.s32 $0x4600;
	s25 =	sadd.s32 s7, s22;
	[dreg:$0xb] =	wrdreg s5  }
0x13: {  	v10 =	vadd.s32 $0x18800B, v15;
	v11 =	vadd.s32 $0x18800C, v15;
	v12 =	vadd.s32 $0x18800D, v15;
	s0 =	smax.u32 s0, $0x1;
	s24 =	simm.s32 $0x5;
	[dreg:$0xc] =	wrdreg s25  }
0x14: {  	v13 =	vor.u32 $0x188000, v15;
	v14 =	vadd.s32 $0x18800E, v15;
	v15 =	vadd.s32 $0x18800F, v15;
	[dreg:$0xe] =	wrdreg s0;
	s0 =	simm.s32 $0x6200;
	s5 =	simm.s32 $0x6  }
.LBB2_14:
0x15: {  	s11 =	rddreg [dreg:$0xf]  }
0x16: {  	s8 =	rddreg [dreg:$0xe];
	s11 =	sadd.s32 $0x1, s11  }
0x17: {  	p0 =	sne.s32 s11, s8  }
.Ltmp1:
0x18: {  	_ = 	snop;
	(pc) =	sbr.rel @!p0 .LBB2_15-.Ltmp1, $1  }
0x19: {  	_ =	sdelay $0x3  }
.LBB2_1:
.Ltmp2:
0x1a: {  	(pc) =	sbr.rel .LBB2_2-.Ltmp2, $2  }
0x1b: {  	_ =	sdelay $0x2  }
0x1c: {  	[dreg:$0xf] =	wrdreg s11;
	s11 =	simm.s32 $0x0  }
.LBB2_13:
0x1d: {  	s8 =	simm.s32 $0x7  }
0x1e: {  	_ =	swait.ge [sflag:s8], $0xE00  }
0x1f: {  	[sflag:s8] =	ssyncset.done $0x0  }
0x20: {  	[sflag:s8] =	ssyncadd.s32 $0xFFFFF200  }
0x21: {  	_ =	swait.ge [sflag:s9], $0xE00  }
0x22: {  	[sflag:s9] =	ssyncset.done $0x0  }
0x23: {  	[sflag:s9] =	ssyncadd.s32 $0xFFFFF200  }
0x24: {  	s23 =	rddreg [dreg:$0xa];
	[bflag:$0x0] =	sbarrier.arrive $0xFFFF  }
0x25: {  	s11 =	sadd.s32 $0x1, s11;
	s8 =	sadd.s32 s23, s14;
	s13 =	rddreg [dreg:$0x1]  }
0x26: {  	p0 =	sne.s32 s11, $0xC;
	s8 =	sshrl.u32 s8, $0x3;
	s25 =	rddreg [dreg:$0x9]  }
.Ltmp3:
0x27: {  	s8 =	sadd.s32 s13, s8;
	s13 =	sor.u32 $0x1C09, s25;
	(pc) =	sbr.rel @!p0 .LBB2_14-.Ltmp3, $4  }
0x28: {  	[hbm:s8], [sflag:s13] =	dma.local [spmem:s12], $0x3100  }
0x29: {  	_ =	swait.ge [sflag:s10], $0x3100  }
0x2a: {  	[sflag:s10] =	ssyncset.done $0x0  }
0x2b: {  	[sflag:s10] =	ssyncadd.s32 $0xFFFFCF00  }
.LBB2_2:
0x2c: {  	s8 =	rddreg [dreg:$0x6]  }
0x2d: {  	s25 =	rddreg [dreg:$0x7]  }
0x2e: {  	s12 =	rddreg [dreg:$0x8]  }
0x2f: {  	s13 =	simm.s32 $0x0;
	s14 =	rddreg [dreg:$0xc]  }
0x30: {  	[tilespmem:s13], [sflag:$0x1] =	stream.linear.gather [hbm4b:s8+s13], $0xE00, $0x38;
	[tilespmem:$0x1F810] =	vst v63  }
0x31: {  	s22 =	rddreg [dreg:$0xd]  }
0x32: {  	[tilespmem:s19], [sflag:$0x1] =	stream.linear.gather [hbm4b:s25+s13], $0xE00, $0x38;
	[tilespmem:$0x1F810] =	vst v63  }
0x33: {  	s23 =	rddreg [dreg:$0x5]  }
0x34: {  	[tilespmem:s20], [sflag:$0x2] =	stream.linear.gather [hbm4b:s12+s13], $0xE00, $0x38;
	[tilespmem:$0x1F810] =	vst v63  }
0x35: {  	s12 =	sshrl.u32 s22, $0x3;
	s22 =	rddreg [dreg:$0xb]  }
0x36: {  	[tilespmem:s21], [sflag:$0x2] =	stream.linear.gather [hbm4b:s14+s13], $0xE00, $0x38;
	[tilespmem:$0x1F810] =	vst v63  }
0x37: {  	[spmem:s12], [sflag:s22] =	dma.local [hbm:s23], $0x3100  }
0x38: {  	s25 =	simm.s32 $0xA;
	s14 =	sshll.u32 s11, $0x1;
	s8 =	rddreg [dreg:$0x4]  }
0x39: {  	_ =	swait.ge [sflag:s25], $0x3100;
	s14 =	sor.u32 s8, s14  }
0x3a: {  	[sflag:s25] =	ssyncset.done $0x0;
	s14 =	smul.u32 $0x188000, s14  }
0x3b: {  	[sflag:s25] =	ssyncadd.s32 $0xFFFFCF00  }
0x3c: {  	[bflag:$0x0] =	sbarrier.arrive $0xFFFF;
	v16 =	vmov s14  }
.LBB2_3:
0x3d: {  	_ =	swait.ge [sflag:s26], $0xE00  }
0x3e: {  	[sflag:s26] =	ssyncset.done $0x0  }
0x3f: {  	[sflag:s26] =	ssyncadd.s32 $0xFFFFF200  }
0x40: {  	_ =	swait.ge [sflag:s26], $0xE00  }
0x41: {  	[sflag:s26] =	ssyncset.done $0x0  }
0x42: {  	s22 =	simm.s32 $0x0;
	[sflag:s26] =	ssyncadd.s32 $0xFFFFF200  }
0x43: {  	v17 =	vld [tilespmem:s22+$0x0]  }
0x44: {  	v18 =	vld [tilespmem:s22+$0x10]  }
0x45: {  	v19 =	vld [tilespmem:s22+$0x20]  }
0x46: {  	v20 =	vld [tilespmem:s22+$0x30]  }
0x47: {  	v21 =	vld [tilespmem:s22+$0x40]  }
0x48: {  	v22 =	vld [tilespmem:s22+$0x50];
	v17 =	vsub.s32 v17, v16  }
0x49: {  	v23 =	vld [tilespmem:s22+$0x60];
	v18 =	vsub.s32 v18, v16;
	v17 =	vmin.u32 v17, v13  }
0x4a: {  	v24 =	vld [tilespmem:s22+$0x70];
	[tilespmem:s22+$0x0] =	vst v17;
	v17 =	vmin.u32 v18, v0;
	v18 =	vsub.s32 v19, v16  }
0x4b: {  	v25 =	vld [tilespmem:s22+$0x80];
	[tilespmem:s22+$0x10] =	vst v17;
	v17 =	vmin.u32 v18, v1;
	v18 =	vsub.s32 v20, v16  }
0x4c: {  	v26 =	vld [tilespmem:s22+$0x90];
	[tilespmem:s22+$0x20] =	vst v17;
	v17 =	vmin.u32 v18, v2;
	v18 =	vsub.s32 v21, v16  }
0x4d: {  	v19 =	vsub.s32 v22, v16;
	[tilespmem:s22+$0x30] =	vst v17;
	v17 =	vmin.u32 v18, v3;
	v18 =	vld [tilespmem:s22+$0xA0]  }
0x4e: {  	v19 =	vmin.u32 v19, v4;
	v20 =	vsub.s32 v23, v16;
	[tilespmem:s22+$0x40] =	vst v17;
	v17 =	vld [tilespmem:s22+$0xB0]  }
0x4f: {  	[tilespmem:s22+$0x50] =	vst v19;
	v20 =	vmin.u32 v20, v5;
	v19 =	vld [tilespmem:s22+$0xC0];
	v21 =	vsub.s32 v24, v16  }
0x50: {  	v22 =	vsub.s32 v25, v16;
	[tilespmem:s22+$0x60] =	vst v20;
	v21 =	vmin.u32 v21, v6;
	v20 =	vld [tilespmem:s22+$0xD0]  }
0x51: {  	s23 =	simm.s32 $0x400;
	v22 =	vmin.u32 v22, v7;
	v23 =	vsub.s32 v26, v16;
	[tilespmem:s22+$0x70] =	vst v21;
	v21 =	vld [tilespmem:s22+$0xE0]  }
.LBB2_4:
0x52: {  	s25 =	sshra.s32 s23, $0x2;
	p0 =	sne.s32 s23, $0x3400;
	[tilespmem:s22+$0x80] =	vst v22;
	v22 =	vmin.u32 v23, v8;
	v18 =	vsub.s32 v18, v16;
	v23 =	vld [tilespmem:s22+$0xF0]  }
0x53: {  	v24 =	vld [tilespmem:s25+$0x0];
	[tilespmem:s22+$0x90] =	vst v22;
	v18 =	vmin.u32 v18, v9;
	v17 =	vsub.s32 v17, v16  }
0x54: {  	v22 =	vld [tilespmem:s25+$0x10];
	[tilespmem:s22+$0xA0] =	vst v18;
	v17 =	vmin.u32 v17, v10;
	v18 =	vsub.s32 v19, v16  }
0x55: {  	v19 =	vld [tilespmem:s25+$0x20];
	[tilespmem:s22+$0xB0] =	vst v17;
	v17 =	vmin.u32 v18, v11;
	v18 =	vsub.s32 v20, v16  }
0x56: {  	v20 =	vld [tilespmem:s25+$0x30];
	[tilespmem:s22+$0xC0] =	vst v17;
	v17 =	vmin.u32 v18, v12;
	v18 =	vsub.s32 v21, v16  }
0x57: {  	v21 =	vld [tilespmem:s25+$0x40];
	[tilespmem:s22+$0xD0] =	vst v17;
	v17 =	vmin.u32 v18, v14;
	v18 =	vsub.s32 v23, v16  }
0x58: {  	v23 =	vsub.s32 v24, v16;
	v24 =	vld [tilespmem:s25+$0x50];
	[tilespmem:s22+$0xE0] =	vst v17;
	v17 =	vmin.u32 v18, v15  }
0x59: {  	v18 =	vmin.u32 v23, v13;
	v22 =	vsub.s32 v22, v16;
	v23 =	vld [tilespmem:s25+$0x60];
	[tilespmem:s22+$0xF0] =	vst v17;
	s22 =	smov.u32 s25  }
0x5a: {  	[tilespmem:s22+$0x0] =	vst v18;
	v17 =	vmin.u32 v22, v0;
	v18 =	vsub.s32 v19, v16;
	v19 =	vld [tilespmem:s22+$0x70]  }
0x5b: {  	[tilespmem:s22+$0x10] =	vst v17;
	v17 =	vmin.u32 v18, v1;
	v18 =	vsub.s32 v20, v16;
	v20 =	vld [tilespmem:s22+$0x80]  }
0x5c: {  	[tilespmem:s22+$0x20] =	vst v17;
	v17 =	vmin.u32 v18, v2;
	v18 =	vsub.s32 v21, v16;
	v21 =	vld [tilespmem:s22+$0x90]  }
.Ltmp4:
0x5d: {  	[tilespmem:s22+$0x30] =	vst v17;
	v17 =	vmin.u32 v18, v3;
	v22 =	vsub.s32 v24, v16;
	v18 =	vld [tilespmem:s22+$0xA0];
	(pc) =	sbr.rel @p0 .LBB2_4-.Ltmp4, $4  }
0x5e: {  	[tilespmem:s22+$0x40] =	vst v17;
	v22 =	vmin.u32 v22, v4;
	v23 =	vsub.s32 v23, v16;
	v17 =	vld [tilespmem:s22+$0xB0]  }
0x5f: {  	[tilespmem:s22+$0x50] =	vst v22;
	v22 =	vmin.u32 v23, v5;
	v23 =	vsub.s32 v19, v16;
	v19 =	vld [tilespmem:s22+$0xC0]  }
0x60: {  	[tilespmem:s22+$0x60] =	vst v22;
	v22 =	vmin.u32 v23, v6;
	v23 =	vsub.s32 v20, v16;
	v20 =	vld [tilespmem:s22+$0xD0]  }
0x61: {  	s23 =	sadd.s32 $0x400, s23;
	[tilespmem:s22+$0x70] =	vst v22;
	v22 =	vmin.u32 v23, v7;
	v23 =	vsub.s32 v21, v16;
	v21 =	vld [tilespmem:s22+$0xE0]  }
0x62: {  	[tilespmem:s22+$0x80] =	vst v22;
	v22 =	vmin.u32 v23, v8;
	v18 =	vsub.s32 v18, v16;
	v23 =	vld [tilespmem:s22+$0xF0]  }
0x63: {  	[tilespmem:s22+$0x90] =	vst v22;
	v18 =	vmin.u32 v18, v9;
	v17 =	vsub.s32 v17, v16  }
0x64: {  	[tilespmem:s22+$0xA0] =	vst v18;
	v17 =	vmin.u32 v17, v10;
	v18 =	vsub.s32 v19, v16  }
0x65: {  	[tilespmem:s22+$0xB0] =	vst v17;
	v17 =	vmin.u32 v18, v11;
	v18 =	vsub.s32 v20, v16  }
0x66: {  	[tilespmem:s22+$0xC0] =	vst v17;
	v17 =	vmin.u32 v18, v12;
	v18 =	vsub.s32 v21, v16  }
0x67: {  	[tilespmem:s22+$0xD0] =	vst v17;
	v17 =	vmin.u32 v18, v14;
	v18 =	vsub.s32 v23, v16  }
0x68: {  	p0 =	seq.s32 s13, $0x0;
	[tilespmem:s22+$0xE0] =	vst v17;
	v17 =	vmin.u32 v18, v15  }
0x69: {  	s23 =	simm.s32 @!p0 $0x7;
	[tilespmem:s22+$0xF0] =	vst v17;
	s22 =	smul.u32 $0x3800, s13  }
0x6a: {  	[spmem:s2] =	stream.indirect.scatter.add.f32 [tilespmem:s19], [sflag:$0x5], $0x1, s4, s20, $0xb8;
	[tilespmem:$0x1F810] =	vst v63  }
0x6b: {  	_ =	swait.ge @!p0 [sflag:s23], $0xE00;
	s25 =	sadd.s32 s22, s15  }
0x6c: {  	[sflag:s23] =	ssyncset.done @!p0 $0x0;
	s25 =	sshrl.u32 s25, $0x3  }
0x6d: {  	s8 =	simm.s32 $0x0;
	[sflag:s23] =	ssyncadd.s32 @!p0 $0xFFFFF200;
	s23 =	sadd.s32 s6, s25  }
0x6e: {  	[tilespmem:s28], [sflag:$0x3] =	stream.linear.gather [hbm4b:s23+s8], $0xE00, $0x38;
	[tilespmem:$0x1F810] =	vst v63  }
0x6f: {  	s25 =	sadd.s32 s7, s25  }
0x70: {  	[tilespmem:s29], [sflag:$0x3] =	stream.linear.gather [hbm4b:s25+s8], $0xE00, $0x38;
	[tilespmem:$0x1F810] =	vst v63  }
0x71: {  	_ =	swait.ge [sflag:s30], $0xE00  }
0x72: {  	[sflag:s30] =	ssyncset.done $0x0  }
0x73: {  	[sflag:s30] =	ssyncadd.s32 $0xFFFFF200  }
0x74: {  	_ =	swait.ge [sflag:s30], $0xE00  }
0x75: {  	[sflag:s30] =	ssyncset.done $0x0  }
0x76: {  	s23 =	simm.s32 $0x0;
	[sflag:s30] =	ssyncadd.s32 $0xFFFFF200  }
0x77: {  	v17 =	vld [tilespmem:s23+$0xE00]  }
0x78: {  	v18 =	vld [tilespmem:s23+$0xE10]  }
0x79: {  	v19 =	vld [tilespmem:s23+$0xE20]  }
0x7a: {  	v20 =	vld [tilespmem:s23+$0xE30]  }
0x7b: {  	v21 =	vld [tilespmem:s23+$0xE40]  }
0x7c: {  	v22 =	vld [tilespmem:s23+$0xE50];
	v17 =	vsub.s32 v17, v16  }
0x7d: {  	v23 =	vld [tilespmem:s23+$0xE60];
	v18 =	vsub.s32 v18, v16;
	v17 =	vmin.u32 v17, v13  }
0x7e: {  	v24 =	vld [tilespmem:s23+$0xE70];
	[tilespmem:s23+$0xE00] =	vst v17;
	v17 =	vmin.u32 v18, v0;
	v18 =	vsub.s32 v19, v16  }
0x7f: {  	v25 =	vld [tilespmem:s23+$0xE80];
	[tilespmem:s23+$0xE10] =	vst v17;
	v17 =	vmin.u32 v18, v1;
	v18 =	vsub.s32 v20, v16  }
0x80: {  	v26 =	vld [tilespmem:s23+$0xE90];
	[tilespmem:s23+$0xE20] =	vst v17;
	v17 =	vmin.u32 v18, v2;
	v18 =	vsub.s32 v21, v16  }
0x81: {  	v19 =	vsub.s32 v22, v16;
	[tilespmem:s23+$0xE30] =	vst v17;
	v17 =	vmin.u32 v18, v3;
	v18 =	vld [tilespmem:s23+$0xEA0]  }
0x82: {  	v19 =	vmin.u32 v19, v4;
	v20 =	vsub.s32 v23, v16;
	[tilespmem:s23+$0xE40] =	vst v17;
	v17 =	vld [tilespmem:s23+$0xEB0]  }
0x83: {  	[tilespmem:s23+$0xE50] =	vst v19;
	v20 =	vmin.u32 v20, v5;
	v19 =	vld [tilespmem:s23+$0xEC0];
	v21 =	vsub.s32 v24, v16  }
0x84: {  	v22 =	vsub.s32 v25, v16;
	[tilespmem:s23+$0xE60] =	vst v20;
	v21 =	vmin.u32 v21, v6;
	v20 =	vld [tilespmem:s23+$0xED0]  }
0x85: {  	s25 =	simm.s32 $0x400;
	v22 =	vmin.u32 v22, v7;
	v23 =	vsub.s32 v26, v16;
	[tilespmem:s23+$0xE70] =	vst v21;
	v21 =	vld [tilespmem:s23+$0xEE0]  }
.LBB2_6:
0x86: {  	s8 =	sshra.s32 s25, $0x2;
	p1 =	sne.s32 s25, $0x3400;
	[tilespmem:s23+$0xE80] =	vst v22;
	v22 =	vmin.u32 v23, v8;
	v18 =	vsub.s32 v18, v16;
	v23 =	vld [tilespmem:s23+$0xEF0]  }
0x87: {  	v24 =	vld [tilespmem:s8+$0xE00];
	[tilespmem:s23+$0xE90] =	vst v22;
	v18 =	vmin.u32 v18, v9;
	v17 =	vsub.s32 v17, v16  }
0x88: {  	v22 =	vld [tilespmem:s8+$0xE10];
	[tilespmem:s23+$0xEA0] =	vst v18;
	v17 =	vmin.u32 v17, v10;
	v18 =	vsub.s32 v19, v16  }
0x89: {  	v19 =	vld [tilespmem:s8+$0xE20];
	[tilespmem:s23+$0xEB0] =	vst v17;
	v17 =	vmin.u32 v18, v11;
	v18 =	vsub.s32 v20, v16  }
0x8a: {  	v20 =	vld [tilespmem:s8+$0xE30];
	[tilespmem:s23+$0xEC0] =	vst v17;
	v17 =	vmin.u32 v18, v12;
	v18 =	vsub.s32 v21, v16  }
0x8b: {  	v21 =	vld [tilespmem:s8+$0xE40];
	[tilespmem:s23+$0xED0] =	vst v17;
	v17 =	vmin.u32 v18, v14;
	v18 =	vsub.s32 v23, v16  }
0x8c: {  	v23 =	vsub.s32 v24, v16;
	v24 =	vld [tilespmem:s8+$0xE50];
	[tilespmem:s23+$0xEE0] =	vst v17;
	v17 =	vmin.u32 v18, v15  }
0x8d: {  	v18 =	vmin.u32 v23, v13;
	v22 =	vsub.s32 v22, v16;
	v23 =	vld [tilespmem:s8+$0xE60];
	[tilespmem:s23+$0xEF0] =	vst v17;
	s23 =	smov.u32 s8  }
0x8e: {  	[tilespmem:s23+$0xE00] =	vst v18;
	v17 =	vmin.u32 v22, v0;
	v18 =	vsub.s32 v19, v16;
	v19 =	vld [tilespmem:s23+$0xE70]  }
0x8f: {  	[tilespmem:s23+$0xE10] =	vst v17;
	v17 =	vmin.u32 v18, v1;
	v18 =	vsub.s32 v20, v16;
	v20 =	vld [tilespmem:s23+$0xE80]  }
0x90: {  	[tilespmem:s23+$0xE20] =	vst v17;
	v17 =	vmin.u32 v18, v2;
	v18 =	vsub.s32 v21, v16;
	v21 =	vld [tilespmem:s23+$0xE90]  }
.Ltmp5:
0x91: {  	[tilespmem:s23+$0xE30] =	vst v17;
	v17 =	vmin.u32 v18, v3;
	v22 =	vsub.s32 v24, v16;
	v18 =	vld [tilespmem:s23+$0xEA0];
	(pc) =	sbr.rel @p1 .LBB2_6-.Ltmp5, $4  }
0x92: {  	[tilespmem:s23+$0xE40] =	vst v17;
	v22 =	vmin.u32 v22, v4;
	v23 =	vsub.s32 v23, v16;
	v17 =	vld [tilespmem:s23+$0xEB0]  }
0x93: {  	[tilespmem:s23+$0xE50] =	vst v22;
	v22 =	vmin.u32 v23, v5;
	v23 =	vsub.s32 v19, v16;
	v19 =	vld [tilespmem:s23+$0xEC0]  }
0x94: {  	[tilespmem:s23+$0xE60] =	vst v22;
	v22 =	vmin.u32 v23, v6;
	v23 =	vsub.s32 v20, v16;
	v20 =	vld [tilespmem:s23+$0xED0]  }
0x95: {  	s25 =	sadd.s32 $0x400, s25;
	[tilespmem:s23+$0xE70] =	vst v22;
	v22 =	vmin.u32 v23, v7;
	v23 =	vsub.s32 v21, v16;
	v21 =	vld [tilespmem:s23+$0xEE0]  }
0x96: {  	[tilespmem:s23+$0xE80] =	vst v22;
	v22 =	vmin.u32 v23, v8;
	v18 =	vsub.s32 v18, v16;
	v23 =	vld [tilespmem:s23+$0xEF0]  }
0x97: {  	[tilespmem:s23+$0xE90] =	vst v22;
	v18 =	vmin.u32 v18, v9;
	v17 =	vsub.s32 v17, v16  }
0x98: {  	[tilespmem:s23+$0xEA0] =	vst v18;
	v17 =	vmin.u32 v17, v10;
	v18 =	vsub.s32 v19, v16  }
0x99: {  	[tilespmem:s23+$0xEB0] =	vst v17;
	v17 =	vmin.u32 v18, v11;
	v18 =	vsub.s32 v20, v16  }
0x9a: {  	[tilespmem:s23+$0xEC0] =	vst v17;
	v17 =	vmin.u32 v18, v12;
	v18 =	vsub.s32 v21, v16  }
0x9b: {  	[tilespmem:s23+$0xED0] =	vst v17;
	v17 =	vmin.u32 v18, v14;
	v18 =	vsub.s32 v23, v16  }
0x9c: {  	[tilespmem:s23+$0xEE0] =	vst v17;
	v17 =	vmin.u32 v18, v15  }
0x9d: {  	s8 =	simm.s32 @!p0 $0x8;
	[tilespmem:s23+$0xEF0] =	vst v17  }
0x9e: {  	[spmem:s2] =	stream.indirect.scatter.add.f32 [tilespmem:s21], [sflag:$0x6], $0x1, s20, s20, $0xb8;
	[tilespmem:$0x1F810] =	vst v63  }
0x9f: {  	s25 =	sadd.s32 s22, s16;
	_ =	swait.ge @!p0 [sflag:s8], $0xE00  }
0xa0: {  	s23 =	sshrl.u32 s25, $0x3;
	[sflag:s8] =	ssyncset.done @!p0 $0x0  }
0xa1: {  	s25 =	simm.s32 $0x0;
	[sflag:s8] =	ssyncadd.s32 @!p0 $0xFFFFF200;
	s8 =	sadd.s32 s6, s23  }
0xa2: {  	[tilespmem:s31], [sflag:$0x4] =	stream.linear.gather [hbm4b:s8+s25], $0xE00, $0x38;
	[tilespmem:$0x1F810] =	vst v63  }
0xa3: {  	s23 =	sadd.s32 s7, s23  }
0xa4: {  	[tilespmem:s0], [sflag:$0x4] =	stream.linear.gather [hbm4b:s23+s25], $0xE00, $0x38;
	[tilespmem:$0x1F810] =	vst v63  }
0xa5: {  	_ =	swait.ge [sflag:s3], $0xE00  }
0xa6: {  	[sflag:s3] =	ssyncset.done $0x0  }
0xa7: {  	[sflag:s3] =	ssyncadd.s32 $0xFFFFF200  }
0xa8: {  	_ =	swait.ge [sflag:s3], $0xE00  }
0xa9: {  	[sflag:s3] =	ssyncset.done $0x0  }
0xaa: {  	s23 =	simm.s32 $0x0;
	[sflag:s3] =	ssyncadd.s32 $0xFFFFF200  }
0xab: {  	v17 =	vld [tilespmem:s23+$0x1C00]  }
0xac: {  	v18 =	vld [tilespmem:s23+$0x1C10]  }
0xad: {  	v19 =	vld [tilespmem:s23+$0x1C20]  }
0xae: {  	v20 =	vld [tilespmem:s23+$0x1C30]  }
0xaf: {  	v21 =	vld [tilespmem:s23+$0x1C40]  }
0xb0: {  	v22 =	vld [tilespmem:s23+$0x1C50];
	v17 =	vsub.s32 v17, v16  }
0xb1: {  	v23 =	vld [tilespmem:s23+$0x1C60];
	v18 =	vsub.s32 v18, v16;
	v17 =	vmin.u32 v17, v13  }
0xb2: {  	v24 =	vld [tilespmem:s23+$0x1C70];
	[tilespmem:s23+$0x1C00] =	vst v17;
	v17 =	vmin.u32 v18, v0;
	v18 =	vsub.s32 v19, v16  }
0xb3: {  	v25 =	vld [tilespmem:s23+$0x1C80];
	[tilespmem:s23+$0x1C10] =	vst v17;
	v17 =	vmin.u32 v18, v1;
	v18 =	vsub.s32 v20, v16  }
0xb4: {  	v26 =	vld [tilespmem:s23+$0x1C90];
	[tilespmem:s23+$0x1C20] =	vst v17;
	v17 =	vmin.u32 v18, v2;
	v18 =	vsub.s32 v21, v16  }
0xb5: {  	v19 =	vsub.s32 v22, v16;
	[tilespmem:s23+$0x1C30] =	vst v17;
	v17 =	vmin.u32 v18, v3;
	v18 =	vld [tilespmem:s23+$0x1CA0]  }
0xb6: {  	v19 =	vmin.u32 v19, v4;
	v20 =	vsub.s32 v23, v16;
	[tilespmem:s23+$0x1C40] =	vst v17;
	v17 =	vld [tilespmem:s23+$0x1CB0]  }
0xb7: {  	[tilespmem:s23+$0x1C50] =	vst v19;
	v20 =	vmin.u32 v20, v5;
	v19 =	vld [tilespmem:s23+$0x1CC0];
	v21 =	vsub.s32 v24, v16  }
0xb8: {  	v22 =	vsub.s32 v25, v16;
	[tilespmem:s23+$0x1C60] =	vst v20;
	v21 =	vmin.u32 v21, v6;
	v20 =	vld [tilespmem:s23+$0x1CD0]  }
0xb9: {  	s25 =	simm.s32 $0x400;
	v22 =	vmin.u32 v22, v7;
	v23 =	vsub.s32 v26, v16;
	[tilespmem:s23+$0x1C70] =	vst v21;
	v21 =	vld [tilespmem:s23+$0x1CE0]  }
.LBB2_8:
0xba: {  	s8 =	sshra.s32 s25, $0x2;
	p0 =	sne.s32 s25, $0x3400;
	[tilespmem:s23+$0x1C80] =	vst v22;
	v22 =	vmin.u32 v23, v8;
	v18 =	vsub.s32 v18, v16;
	v23 =	vld [tilespmem:s23+$0x1CF0]  }
0xbb: {  	v24 =	vld [tilespmem:s8+$0x1C00];
	[tilespmem:s23+$0x1C90] =	vst v22;
	v18 =	vmin.u32 v18, v9;
	v17 =	vsub.s32 v17, v16  }
0xbc: {  	v22 =	vld [tilespmem:s8+$0x1C10];
	[tilespmem:s23+$0x1CA0] =	vst v18;
	v17 =	vmin.u32 v17, v10;
	v18 =	vsub.s32 v19, v16  }
0xbd: {  	v19 =	vld [tilespmem:s8+$0x1C20];
	[tilespmem:s23+$0x1CB0] =	vst v17;
	v17 =	vmin.u32 v18, v11;
	v18 =	vsub.s32 v20, v16  }
0xbe: {  	v20 =	vld [tilespmem:s8+$0x1C30];
	[tilespmem:s23+$0x1CC0] =	vst v17;
	v17 =	vmin.u32 v18, v12;
	v18 =	vsub.s32 v21, v16  }
0xbf: {  	v21 =	vld [tilespmem:s8+$0x1C40];
	[tilespmem:s23+$0x1CD0] =	vst v17;
	v17 =	vmin.u32 v18, v14;
	v18 =	vsub.s32 v23, v16  }
0xc0: {  	v23 =	vsub.s32 v24, v16;
	v24 =	vld [tilespmem:s8+$0x1C50];
	[tilespmem:s23+$0x1CE0] =	vst v17;
	v17 =	vmin.u32 v18, v15  }
0xc1: {  	v18 =	vmin.u32 v23, v13;
	v22 =	vsub.s32 v22, v16;
	v23 =	vld [tilespmem:s8+$0x1C60];
	[tilespmem:s23+$0x1CF0] =	vst v17;
	s23 =	smov.u32 s8  }
0xc2: {  	[tilespmem:s23+$0x1C00] =	vst v18;
	v17 =	vmin.u32 v22, v0;
	v18 =	vsub.s32 v19, v16;
	v19 =	vld [tilespmem:s23+$0x1C70]  }
0xc3: {  	[tilespmem:s23+$0x1C10] =	vst v17;
	v17 =	vmin.u32 v18, v1;
	v18 =	vsub.s32 v20, v16;
	v20 =	vld [tilespmem:s23+$0x1C80]  }
0xc4: {  	[tilespmem:s23+$0x1C20] =	vst v17;
	v17 =	vmin.u32 v18, v2;
	v18 =	vsub.s32 v21, v16;
	v21 =	vld [tilespmem:s23+$0x1C90]  }
.Ltmp6:
0xc5: {  	[tilespmem:s23+$0x1C30] =	vst v17;
	v17 =	vmin.u32 v18, v3;
	v22 =	vsub.s32 v24, v16;
	v18 =	vld [tilespmem:s23+$0x1CA0];
	(pc) =	sbr.rel @p0 .LBB2_8-.Ltmp6, $4  }
0xc6: {  	[tilespmem:s23+$0x1C40] =	vst v17;
	v22 =	vmin.u32 v22, v4;
	v23 =	vsub.s32 v23, v16;
	v17 =	vld [tilespmem:s23+$0x1CB0]  }
0xc7: {  	[tilespmem:s23+$0x1C50] =	vst v22;
	v22 =	vmin.u32 v23, v5;
	v23 =	vsub.s32 v19, v16;
	v19 =	vld [tilespmem:s23+$0x1CC0]  }
0xc8: {  	[tilespmem:s23+$0x1C60] =	vst v22;
	v22 =	vmin.u32 v23, v6;
	v23 =	vsub.s32 v20, v16;
	v20 =	vld [tilespmem:s23+$0x1CD0]  }
0xc9: {  	s25 =	sadd.s32 $0x400, s25;
	[tilespmem:s23+$0x1C70] =	vst v22;
	v22 =	vmin.u32 v23, v7;
	v23 =	vsub.s32 v21, v16;
	v21 =	vld [tilespmem:s23+$0x1CE0]  }
0xca: {  	[tilespmem:s23+$0x1C80] =	vst v22;
	v22 =	vmin.u32 v23, v8;
	v18 =	vsub.s32 v18, v16;
	v23 =	vld [tilespmem:s23+$0x1CF0]  }
0xcb: {  	[tilespmem:s23+$0x1C90] =	vst v22;
	v18 =	vmin.u32 v18, v9;
	v17 =	vsub.s32 v17, v16  }
0xcc: {  	[tilespmem:s23+$0x1CA0] =	vst v18;
	v17 =	vmin.u32 v17, v10;
	v18 =	vsub.s32 v19, v16  }
0xcd: {  	[tilespmem:s23+$0x1CB0] =	vst v17;
	v17 =	vmin.u32 v18, v11;
	v18 =	vsub.s32 v20, v16  }
0xce: {  	[tilespmem:s23+$0x1CC0] =	vst v17;
	v17 =	vmin.u32 v18, v12;
	v18 =	vsub.s32 v21, v16  }
0xcf: {  	[tilespmem:s23+$0x1CD0] =	vst v17;
	v17 =	vmin.u32 v18, v14;
	v18 =	vsub.s32 v23, v16  }
0xd0: {  	[tilespmem:s23+$0x1CE0] =	vst v17;
	v17 =	vmin.u32 v18, v15  }
0xd1: {  	p0 =	seq.s32 s13, $0x29;
	[tilespmem:s23+$0x1CF0] =	vst v17  }
0xd2: {  	[spmem:s2] =	stream.indirect.scatter.add.f32 [tilespmem:s29], [sflag:$0x7], $0x1, s28, s20, $0xb8;
	[tilespmem:$0x1F810] =	vst v63  }
0xd3: {  	s8 =	sadd.s32 @!p0 s22, s17;
	_ =	swait.ge [sflag:s24], $0xE00  }
0xd4: {  	s8 =	sshrl.u32 @!p0 s8, $0x3;
	[sflag:s24] =	ssyncset.done $0x0  }
0xd5: {  	s25 =	simm.s32 @!p0 $0x0;
	s23 =	sadd.s32 @!p0 s6, s8;
	[sflag:s24] =	ssyncadd.s32 $0xFFFFF200  }
0xd6: {  	[tilespmem:s25], [sflag:$0x1] =	stream.linear.gather @!p0 [hbm4b:s23+s25], $0xE00, $0x38;
	[tilespmem:$0x1F810] =	vst v63  }
0xd7: {  	s8 =	sadd.s32 @!p0 s7, s8;
	s23 =	simm.s32 @!p0 $0x3800  }
0xd8: {  	[tilespmem:s23], [sflag:$0x1] =	stream.linear.gather @!p0 [hbm4b:s8+s25], $0xE00, $0x38;
	[tilespmem:$0x1F810] =	vst v63  }
0xd9: {  	_ =	swait.ge [sflag:s1], $0xE00  }
0xda: {  	[sflag:s1] =	ssyncset.done $0x0  }
0xdb: {  	[sflag:s1] =	ssyncadd.s32 $0xFFFFF200  }
0xdc: {  	_ =	swait.ge [sflag:s1], $0xE00  }
0xdd: {  	[sflag:s1] =	ssyncset.done $0x0  }
0xde: {  	s23 =	simm.s32 $0x0;
	[sflag:s1] =	ssyncadd.s32 $0xFFFFF200  }
0xdf: {  	v17 =	vld [tilespmem:s23+$0x2A00]  }
0xe0: {  	v18 =	vld [tilespmem:s23+$0x2A10]  }
0xe1: {  	v19 =	vld [tilespmem:s23+$0x2A20]  }
0xe2: {  	v20 =	vld [tilespmem:s23+$0x2A30]  }
0xe3: {  	v21 =	vld [tilespmem:s23+$0x2A40]  }
0xe4: {  	v22 =	vld [tilespmem:s23+$0x2A50];
	v17 =	vsub.s32 v17, v16  }
0xe5: {  	v23 =	vld [tilespmem:s23+$0x2A60];
	v18 =	vsub.s32 v18, v16;
	v17 =	vmin.u32 v17, v13  }
0xe6: {  	v24 =	vld [tilespmem:s23+$0x2A70];
	[tilespmem:s23+$0x2A00] =	vst v17;
	v17 =	vmin.u32 v18, v0;
	v18 =	vsub.s32 v19, v16  }
0xe7: {  	v25 =	vld [tilespmem:s23+$0x2A80];
	[tilespmem:s23+$0x2A10] =	vst v17;
	v17 =	vmin.u32 v18, v1;
	v18 =	vsub.s32 v20, v16  }
0xe8: {  	v26 =	vld [tilespmem:s23+$0x2A90];
	[tilespmem:s23+$0x2A20] =	vst v17;
	v17 =	vmin.u32 v18, v2;
	v18 =	vsub.s32 v21, v16  }
0xe9: {  	v19 =	vsub.s32 v22, v16;
	[tilespmem:s23+$0x2A30] =	vst v17;
	v17 =	vmin.u32 v18, v3;
	v18 =	vld [tilespmem:s23+$0x2AA0]  }
0xea: {  	v19 =	vmin.u32 v19, v4;
	v20 =	vsub.s32 v23, v16;
	[tilespmem:s23+$0x2A40] =	vst v17;
	v17 =	vld [tilespmem:s23+$0x2AB0]  }
0xeb: {  	[tilespmem:s23+$0x2A50] =	vst v19;
	v20 =	vmin.u32 v20, v5;
	v19 =	vld [tilespmem:s23+$0x2AC0];
	v21 =	vsub.s32 v24, v16  }
0xec: {  	v22 =	vsub.s32 v25, v16;
	[tilespmem:s23+$0x2A60] =	vst v20;
	v21 =	vmin.u32 v21, v6;
	v20 =	vld [tilespmem:s23+$0x2AD0]  }
0xed: {  	s25 =	simm.s32 $0x400;
	v22 =	vmin.u32 v22, v7;
	v23 =	vsub.s32 v26, v16;
	[tilespmem:s23+$0x2A70] =	vst v21;
	v21 =	vld [tilespmem:s23+$0x2AE0]  }
.LBB2_10:
0xee: {  	s8 =	sshra.s32 s25, $0x2;
	p1 =	sne.s32 s25, $0x3400;
	[tilespmem:s23+$0x2A80] =	vst v22;
	v22 =	vmin.u32 v23, v8;
	v18 =	vsub.s32 v18, v16;
	v23 =	vld [tilespmem:s23+$0x2AF0]  }
0xef: {  	v24 =	vld [tilespmem:s8+$0x2A00];
	[tilespmem:s23+$0x2A90] =	vst v22;
	v18 =	vmin.u32 v18, v9;
	v17 =	vsub.s32 v17, v16  }
0xf0: {  	v22 =	vld [tilespmem:s8+$0x2A10];
	[tilespmem:s23+$0x2AA0] =	vst v18;
	v17 =	vmin.u32 v17, v10;
	v18 =	vsub.s32 v19, v16  }
0xf1: {  	v19 =	vld [tilespmem:s8+$0x2A20];
	[tilespmem:s23+$0x2AB0] =	vst v17;
	v17 =	vmin.u32 v18, v11;
	v18 =	vsub.s32 v20, v16  }
0xf2: {  	v20 =	vld [tilespmem:s8+$0x2A30];
	[tilespmem:s23+$0x2AC0] =	vst v17;
	v17 =	vmin.u32 v18, v12;
	v18 =	vsub.s32 v21, v16  }
0xf3: {  	v21 =	vld [tilespmem:s8+$0x2A40];
	[tilespmem:s23+$0x2AD0] =	vst v17;
	v17 =	vmin.u32 v18, v14;
	v18 =	vsub.s32 v23, v16  }
0xf4: {  	v23 =	vsub.s32 v24, v16;
	v24 =	vld [tilespmem:s8+$0x2A50];
	[tilespmem:s23+$0x2AE0] =	vst v17;
	v17 =	vmin.u32 v18, v15  }
0xf5: {  	v18 =	vmin.u32 v23, v13;
	v22 =	vsub.s32 v22, v16;
	v23 =	vld [tilespmem:s8+$0x2A60];
	[tilespmem:s23+$0x2AF0] =	vst v17;
	s23 =	smov.u32 s8  }
0xf6: {  	[tilespmem:s23+$0x2A00] =	vst v18;
	v17 =	vmin.u32 v22, v0;
	v18 =	vsub.s32 v19, v16;
	v19 =	vld [tilespmem:s23+$0x2A70]  }
0xf7: {  	[tilespmem:s23+$0x2A10] =	vst v17;
	v17 =	vmin.u32 v18, v1;
	v18 =	vsub.s32 v20, v16;
	v20 =	vld [tilespmem:s23+$0x2A80]  }
0xf8: {  	[tilespmem:s23+$0x2A20] =	vst v17;
	v17 =	vmin.u32 v18, v2;
	v18 =	vsub.s32 v21, v16;
	v21 =	vld [tilespmem:s23+$0x2A90]  }
.Ltmp7:
0xf9: {  	[tilespmem:s23+$0x2A30] =	vst v17;
	v17 =	vmin.u32 v18, v3;
	v22 =	vsub.s32 v24, v16;
	v18 =	vld [tilespmem:s23+$0x2AA0];
	(pc) =	sbr.rel @p1 .LBB2_10-.Ltmp7, $4  }
0xfa: {  	[tilespmem:s23+$0x2A40] =	vst v17;
	v22 =	vmin.u32 v22, v4;
	v23 =	vsub.s32 v23, v16;
	v17 =	vld [tilespmem:s23+$0x2AB0]  }
0xfb: {  	[tilespmem:s23+$0x2A50] =	vst v22;
	v22 =	vmin.u32 v23, v5;
	v23 =	vsub.s32 v19, v16;
	v19 =	vld [tilespmem:s23+$0x2AC0]  }
0xfc: {  	[tilespmem:s23+$0x2A60] =	vst v22;
	v22 =	vmin.u32 v23, v6;
	v23 =	vsub.s32 v20, v16;
	v20 =	vld [tilespmem:s23+$0x2AD0]  }
0xfd: {  	s25 =	sadd.s32 $0x400, s25;
	[tilespmem:s23+$0x2A70] =	vst v22;
	v22 =	vmin.u32 v23, v7;
	v23 =	vsub.s32 v21, v16;
	v21 =	vld [tilespmem:s23+$0x2AE0]  }
0xfe: {  	[tilespmem:s23+$0x2A80] =	vst v22;
	v62 =	vmin.u32 v23, v8;
	v18 =	vsub.s32 v18, v16;
	v63 =	vld [tilespmem:s23+$0x2AF0]  }
0xff: {  	[tilespmem:s23+$0x2A90] =	vst v62;
	v18 =	vmin.u32 v18, v9;
	v17 =	vsub.s32 v17, v16  }
0x100: {  	[tilespmem:s23+$0x2AA0] =	vst v18;
	v17 =	vmin.u32 v17, v10;
	v18 =	vsub.s32 v19, v16  }
0x101: {  	[tilespmem:s23+$0x2AB0] =	vst v17;
	v17 =	vmin.u32 v18, v11;
	v18 =	vsub.s32 v20, v16  }
0x102: {  	[tilespmem:s23+$0x2AC0] =	vst v17;
	v17 =	vmin.u32 v18, v12;
	v18 =	vsub.s32 v21, v16  }
0x103: {  	[tilespmem:s23+$0x2AD0] =	vst v17;
	v17 =	vmin.u32 v18, v14;
	v18 =	vsub.s32 v63, v16  }
0x104: {  	[tilespmem:s23+$0x2AE0] =	vst v17;
	v17 =	vmin.u32 v18, v15  }
.Ltmp8:
0x105: {  	[tilespmem:s23+$0x2AF0] =	vst v17;
	(pc) =	sbr.rel @p0 .LBB2_13-.Ltmp8, $4  }
0x106: {  	[spmem:s2] =	stream.indirect.scatter.add.f32 [tilespmem:s0], [sflag:$0x8], $0x1, s31, s20, $0xb8;
	[tilespmem:$0x1F810] =	vst v63  }
0x107: {  	_ =	swait.ge [sflag:s5], $0xE00  }
0x108: {  	[sflag:s5] =	ssyncset.done $0x0  }
0x109: {  	[sflag:s5] =	ssyncadd.s32 $0xFFFFF200  }
0x10a: {  	s8 =	sadd.s32 s22, s18  }
.Ltmp9:
0x10b: {  	s8 =	sshrl.u32 s8, $0x3;
	(pc) =	sbr.rel .LBB2_3-.Ltmp9, $4  }
0x10c: {  	s25 =	sadd.s32 s6, s8  }
0x10d: {  	[tilespmem:s20], [sflag:$0x2] =	stream.linear.gather [hbm4b:s25+s4], $0xE00, $0x38;
	[tilespmem:$0x1F810] =	vst v63  }
0x10e: {  	s13 =	sadd.s32 $0x1, s13;
	s8 =	sadd.s32 s7, s8  }
0x10f: {  	[tilespmem:s21], [sflag:$0x2] =	stream.linear.gather [hbm4b:s8+s4], $0xE00, $0x38;
	[tilespmem:$0x1F810] =	vst v63  }
.LBB2_15:
0x110: {  	_ =	sfence.sel $0x180000  }
0x111: {  	[bflag:$0x0] =	sbarrier.arrive $0xFFFF  }
0x112: {  	_ =	strace $0x90000047  }
0x113: {  	s0 =	stileid.u32;
	[bflag:$0x2] =	sbarrier.arrive $0xFFFF  }
0x114: {  	p0 =	sne.s32 s0, $0x0;
	s0 =	rddreg [dreg:$0x3]  }
0x115: {  	s0 =	sadd.s32 @!p0 $0x100000, s0  }
0x116: {  	[sflag:s0] =	ssyncadd.tile.s32 @!p0 $0x1;
	_ =	shalt  }
.Lfunc_end2:
_tile_overlayer_lowered:
.L_overlay_start_2:
0x117: {  	(tag) =	ssettag $0x2  }
0x118: {  	s0 =	rddreg [dreg:$0x0];
	s2 =	stileid.u32  }
0x119: {  	s1 =	rddreg [dreg:$0x1];
	p0 =	sne.s32 s2, $0x0  }
0x11a: {  	s3 =	rddreg [dreg:$0x2];
	[bflag:$0x3] =	sbarrier.arrive $0xFFFF;
	s2 =	simm.s32 @!p0 $0x1C09  }
0x11b: {  	[timem:s3], [sflag:s2] =	dma.local @!p0 [hbm:s0], s1  }
0x11c: {  	s0 =	simm.s32 @!p0 $0x9  }
0x11d: {  	_ =	swait.ge @!p0 [sflag:s0], s1  }
0x11e: {  	s1 =	ssub.s32 @!p0 $0x0, s1;
	[sflag:s0] =	ssyncset.done @!p0 $0x0  }
0x11f: {  	[sflag:s0] =	ssyncadd.s32 @!p0 s1  }
0x120: {  	[bflag:$0x3] =	sbarrier.arrive $0xFFFF  }
0x121: {  	_ =	shalt  }

// kernel: sparse-core-data-format-call.cloned.1.call-start
scs
called_computation_lowered:
.L_overlay_start_0:
0x0: {  	s2 =	sld [smem:$0x3FD9]  }
0x1: {  	s3 =	sld [smem:$0x3FFE];
	_ =	sdelay $0x1  }
0x2: {  	s1 =	srdreg.scid  }
0x3: {  	s0 =	sand.u32 $0x1, s1  }
0x4: {  	s18 =	sshll.u32 s0, $0xA;
	s2 =	sadd.s32 s3, s2  }
0x5: {  	s2 =	sadd.s32 s2, s18  }
0x6: {  	[smem:$0x3FC6] =	sst s2  }
0x7: {  	_ = 	snop  }
0x8: {  	s2 =	sld [smem:$0x3FD0];
	(tm) =	ssettm $0x1  }
0x9: {  	s19 =	sld [smem:$0x3FFB];
	_ =	sdelay $0x3  }
0xa: {  	_ =	strace s19  }
0xb: {  	s3 =	sld [smem:$0x3FFC];
	_ =	sdelay $0x3  }
0xc: {  	_ =	strace s3  }
0xd: {  	s3 =	sld [smem:$0x3FFD];
	_ =	sdelay $0x3  }
0xe: {  	_ =	strace s3  }
0xf: {  	_ =	strace $0x8FFFFFFF  }
0x10: {  	s20 =	sld [smem:$0x3FDB];
	_ =	sdelay $0x1  }
0x11: {  	s4 =	simm.s32 $_scs_section_size  }
0x12: {  	s5 =	simm.s32 $_size__tile_overlayer_lowered;
	s6 =	simm.s32 $_tile_overlayer_lowered  }
0x13: {  	s23 =	simm.s32 $0x1BFF;
	s22 =	sshll.u32 s6, $0x1;
	s3 =	sadd.s32 s4, s20  }
0x14: {  	s7 =	simm.s32 $0x0;
	s21 =	sshll.u32 s5, $0x1;
	s5 =	sadd.s32 s22, s3  }
0x15: {  	[timem:s7], [sflag:s23] =	dma.local [hbm:s5], s21  }
0x16: {  	_ =	swait.ge [sflag:s23], s21  }
0x17: {  	s4 =	ssub.s32 $0x0, s21;
	[sflag:s23] =	ssyncset.done $0x0  }
0x18: {  	[sflag:s23] =	ssyncadd.s32 s4;
	_ =	sdelay $0x1  }
0x19: {  	s24 =	simm.s32 $0x1B8B  }
0x1a: {  	_ =	swait.ge [sflag:s24], $0x1  }
0x1b: {  	[sflag:s24] =	ssyncset.done $0x0  }
0x1c: {  	s26 =	simm.s32 $0x1B8E;
	s25 =	sld [smem:$0x3FFE];
	[sflag:s24] =	ssyncadd.s32 $0xFFFFFFFF  }
0x1d: {  	s27 =	simm.s32 $execute0_lowered;
	[smem:$0x3FD2] =	sst s26  }
0x1e: {  	s5 =	sshll.u32 s27, $0x1;
	_ =	strace $0x80000049;
	[dreg:$0x1] =	wrdreg $0xFFFFFFFF  }
0x1f: {  	s28 =	simm.s32 $_size_execute0_lowered;
	s3 =	sadd.s32 s3, s5;
	[dreg:$0x0] =	wrdreg $0x0  }
0x20: {  	s5 =	sshll.u32 s28, $0x1;
	[dreg:$0x2] =	wrdreg s3  }
0x21: {  	[dreg:$0x3] =	wrdreg s5  }
0x22: {  	[dreg:$0x4] =	wrdreg $0xC0  }
0x23: {  	_ =	task [dreg:s7], $0x5FFFF  }
0x24: {  	[dreg:$0x1] =	wrdreg $0xFFFFFFFF  }
0x25: {  	[dreg:$0x0] =	wrdreg $0x60  }
0x26: {  	[dreg:$0x2] =	wrdreg s25  }
0x27: {  	[dreg:$0x3] =	wrdreg s2  }
0x28: {  	[dreg:$0x4] =	wrdreg $0x9  }
0x29: {  	_ =	task.clear_ibuf [dreg:s7], $0x5FFFF;
	_ =	strace $0x90000049  }
0x2a: {  	s29 =	simm.s32 $0x9;
	_ =	strace $0x8000004B  }
0x2b: {  	_ =	swait.ge [sflag:s29], $0x1  }
0x2c: {  	[sflag:s29] =	ssyncadd.s32 $0xFFFFFFFF  }
0x2d: {  	_ =	strace $0x9000004B  }
0x2e: {  	_ =	sfence  }
0x2f: {  	s30 =	sld [smem:$0x0];
	_ =	sdelay $0x2  }
0x30: {  	s31 =	sshll.u32 s1, $0xD;
	s1 =	sshrl.u32 s1, $0x2  }
0x31: {  	s3 =	sand.u32 $0x4000, s31;
	s1 =	sadd.s32 s1, s30  }
0x32: {  	s0 =	sor.u32 s3, s0;
	s1 =	sshll.u32 s1, $0x11  }
0x33: {  	s0 =	sor.u32 s1, s0  }
0x34: {  	s0 =	sadd.s32 $0x8F2B, s0  }
0x35: {  	[sflag:s0] =	ssyncadd.remote.s32 $0x1  }
0x36: {  	_ =	sfence.sel $0xFFFF  }
0x37: {  	[dreg:$0x0] =	wrdreg $0xFFFFFFFF;
	(pc) =	sbr.abs _section_cstart, $3  }
0x38: {  	[dreg:$0x1] =	wrdreg $0xFFFFFFFF  }
0x39: {  	_ =	task.clear_ibuf [dreg:s7], $0x2FFFF;
	_ =	strace $0x9FFFFFFF  }
0x3a: {  	(tm) =	ssettm $0x7FFFFFFF  }
0x3b: {  	_ =	shalt  }
tec
execute0_lowered:
.L_overlay_start_1:
0x0: {  	(tag) =	ssettag $0x1  }
0x1: {  	s0 =	rddreg [dreg:$0x0]  }
0x2: {  	s1 =	srdreg.scid;
	_ =	strace $0x8000004A;
	s2 =	stileid.u32  }
0x3: {  	s30 =	simm.s32 $0x1;
	s31 =	simm.s32 $0x2;
	s15 =	simm.s32 $0x0  }
0x4: {  	s16 =	simm.s32 $0x0;
	s17 =	simm.s32 $0x0;
	s8 =	simm.s32 $0x0  }
0x5: {  	s10 =	simm.s32 $0x0;
	s12 =	simm.s32 $0x0;
	s11 =	simm.s32 $0x0  }
.Ltmp0:
0x6: {  	s9 =	simm.s32 $0x0;
	s29 =	sshll.u32 s1, $0x4;
	(pc) =	sbr.rel .LBB1_1-.Ltmp0, $4  }
0x7: {  	s6 =	sadd.s32 $0x800, s0;
	[sflag:s30] =	ssyncpa.u1 $0x0;
	s0 =	sand.u32 $0x10, s29  }
0x8: {  	s7 =	sand.u32 $0x7, s2;
	[dreg:$0x3] =	wrdreg s6;
	s0 =	sor.u32 s2, s0  }
0x9: {  	[sflag:s31] =	ssyncpa.u1 $0x0;
	[dreg:$0x4] =	wrdreg s7;
	s22 =	sshrl.u32 s0, $0x3  }
0xa: {  	s14 =	smov.u32 s7;
	s13 =	smov.u32 s22;
	[dreg:$0x5] =	wrdreg s22  }
.LBB1_9:
0xb: {  	p0 =	sgt.s32 s8, $0x80;
	s3 =	smul.u32 $0xA8000, s12  }
0xc: {  	s0 =	smov.u32 s8;
	s1 =	sshrl.u32 s8, $0x5;
	s27 =	smul.u32 $0xC00, s10  }
0xd: {  	s4 =	sshrl.u32 s8, $0x3;
	s5 =	rddreg [dreg:$0x1];
	s0 =	simm.s32 @!p0 $0x80  }
0xe: {  	s28 =	sand.u32 $0x7, s8;
	s1 =	sand.u32 $0xFFFFFC, s1;
	s0 =	sadd.s32 s19, s0  }
0xf: {  	s29 =	rddreg [dreg:$0x6];
	s26 =	smulhi.u32 $0x2AAAAAB, s1;
	s2 =	sadd.s32 $0xFFFFFF80, s0  }
0x10: {  	s6 =	rddreg [dreg:$0x3];
	s0 =	ssub.s32 $0x100, s0;
	p0 =	sgt.s32 s2, $0x7F  }
0x11: {  	s7 =	rddreg [dreg:$0x4];
	s2 =	smul.u32 $0x60, s26;
	s0 =	simm.s32 @p0 $0x0  }
0x12: {  	s31 =	simm.s32 $0x800;
	s22 =	rddreg [dreg:$0x5];
	s0 =	smul.u32 s0, s18  }
0x13: {  	s4 =	sand.u32 $0xF, s4;
	s3 =	sadd.s32 s5, s3;
	s1 =	ssub.s32 s1, s2  }
0x14: {  	s2 =	sadd.s32 s27, s3;
	s3 =	sshll.u32 s28, $0x12;
	s0 =	smul.u32 $0x60, s0  }
0x15: {  	s1 =	sshll.u32 s1, $0x5;
	s2 =	sadd.s32 s4, s2;
	s4 =	sor.u32 $0x8000, s29  }
0x16: {  	s30 =	sor.u32 $0x400, s3;
	s1 =	sadd.s32 s1, s2;
	s0 =	sand.u32 $0x3FFFFFE0, s0  }
0x17: {  	[hbm4b:s1+s30] =	stream.strided.scatter [tilespmem:s4], [sflag:$0x2], s0, s31, s30, $0x20;
	[tilespmem:$0x10100] =	vst v63  }
.LBB1_10:
0x18: {  	p0 =	slt.u32 s9, $0x2  }
0x19: {  	p1 =	sgt.s32 @!p0 s17, $0x7  }
0x1a: {  	s0 =	smov.u32 s17;
	s1 =	sshra.s32 @!p0 s17, $0x1F;
	p1 =	por !p1, p0  }
0x1b: {  	s2 =	smov.u32 s16;
	s1 =	sand.u32 @!p0 s1, s17;
	s0 =	simm.s32 @p1 $0x7  }
0x1c: {  	s3 =	sshra.s32 @!p0 s16, $0x1F;
	p1 =	sgt.s32 @!p0 s16, $0xDF;
	s0 =	ssub.s32 @!p0 s0, s1  }
0x1d: {  	s4 =	sshra.s32 @!p0 s15, $0x1F;
	p2 =	por !p1, p0;
	s1 =	sadd.s32 @!p0 $0xFFFFFFF9, s0  }
0x1e: {  	s2 =	simm.s32 @p2 $0xDF;
	p1 =	sgt.s32 @!p0 s1, $0x0;
	s1 =	sand.u32 @!p0 s3, s16  }
0x1f: {  	s0 =	ssub.s32 @!p0 $0x8, s0;
	p2 =	sgt.s32 @!p0 s15, $0x80;
	s1 =	ssub.s32 @!p0 s2, s1  }
0x20: {  	p2 =	por !p2, p0;
	s3 =	smov.u32 s15;
	s2 =	sadd.s32 @!p0 $0xFFFFFF21, s1  }
0x21: {  	s3 =	simm.s32 @p2 $0x80;
	p2 =	sgt.s32 @!p0 s2, $0x0;
	s2 =	sand.u32 @!p0 s4, s15  }
0x22: {  	s0 =	smul.u32 @!p0 $0x60, s0;
	p1 =	por !p1, p0;
	s2 =	ssub.s32 @!p0 s3, s2  }
0x23: {  	s1 =	ssub.s32 @!p0 $0xE0, s1;
	p2 =	por !p2, p0;
	s3 =	sadd.s32 @!p0 $0xFFFFFF80, s2  }
0x24: {  	s0 =	simm.s32 @!p1 $0x0;
	s1 =	simm.s32 @!p2 $0x0;
	p2 =	sgt.s32 @!p0 s3, $0x7F  }
0x25: {  	s2 =	ssub.s32 @!p0 $0x100, s2;
	s0 =	smul.u32 @!p0 s1, s0;
	p1 =	por !p2, p0  }
0x26: {  	s1 =	sadd.s32 $0x80, s11;
	s3 =	smov.u32 s13;
	s2 =	simm.s32 @!p1 $0x0  }
0x27: {  	p1 =	sgt.s32 s1, $0xDF;
	s0 =	smul.u32 @!p0 s2, s0;
	s2 =	sadd.s32 $0x4, s13  }
0x28: {  	s3 =	smov.u32 @p1 s2  }
0x29: {  	s5 =	smov.u32 s14;
	s2 =	sadd.s32 $0x8, s14;
	p2 =	sgt.s32 s3, $0xDF  }
0x2a: {  	s9 =	sadd.s32 $0x1, s9;
	s5 =	smov.u32 @p2 s2  }
0x2b: {  	s17 =	smov.u32 s12;
	s1 =	simm.s32 @p1 $0x0;
	p1 =	sgt.s32 s5, $0x7  }
0x2c: {  	s12 =	smov.u32 s14;
	s5 =	smov.u32 @p1 s7;
	p1 =	sne.s32 s9, $0x72  }
.Ltmp1:
0x2d: {  	s16 =	smov.u32 s10;
	s10 =	smov.u32 s13;
	(pc) =	sbr.rel @!p1 .LBB1_11-.Ltmp1, $4  }
0x2e: {  	s4 =	simm.s32 @!p0 $0x2;
	s15 =	smov.u32 s8;
	s0 =	sand.u32 @!p0 $0x3FFFFFE0, s0  }
0x2f: {  	s8 =	smov.u32 s11;
	s11 =	smov.u32 s1;
	_ =	swait.ge @!p0 [sflag:s4], s0  }
0x30: {  	s0 =	ssub.s32 @!p0 $0x0, s0;
	s3 =	smov.u32 @p2 s22;
	[sflag:s4] =	ssyncset.done @!p0 $0x0  }
0x31: {  	s13 =	smov.u32 s3;
	[sflag:s4] =	ssyncadd.s32 @!p0 s0;
	s14 =	smov.u32 s5  }
.LBB1_1:
0x32: {  	p0 =	sgt.u32 s9, $0x6F;
	s18 =	smov.u32 s14  }
0x33: {  	s0 =	sand.u32 @!p0 $0x1FFFFFF, s11;
	p1 =	sgt.s32 @!p0 s14, $0x7;
	s19 =	sshra.s32 @!p0 s14, $0x1F  }
0x34: {  	s20 =	sshra.s32 @!p0 s13, $0x1F;
	s1 =	smulhi.u32 @!p0 $0x2492493, s0;
	p1 =	por !p1, p0  }
0x35: {  	s19 =	sand.u32 @!p0 s19, s14;
	s20 =	sand.u32 @!p0 s20, s13;
	s18 =	simm.s32 @p1 $0x7  }
0x36: {  	p1 =	sgt.s32 @!p0 s13, $0xDF;
	s1 =	sshrl.u32 @!p0 s1, $0x1;
	s18 =	ssub.s32 @!p0 s18, s19  }
0x37: {  	p1 =	por !p1, p0;
	s19 =	smov.u32 s13;
	s1 =	smul.u32 @!p0 $0xE0, s1  }
0x38: {  	s19 =	simm.s32 @p1 $0xDF;
	p1 =	sgt.s32 @!p0 s11, $0x60;
	s18 =	sadd.s32 @!p0 $0xFFFFFFF9, s18  }
0x39: {  	s19 =	ssub.s32 @!p0 s19, s20;
	p1 =	por !p1, p0;
	s20 =	smov.u32 s11  }
0x3a: {  	p2 =	sgt.s32 @!p0 s18, $0x0;
	s18 =	sshll.u32 @!p0 s18, $0x7;
	s21 =	sadd.s32 @!p0 $0xFFFFFF21, s19  }
0x3b: {  	s20 =	simm.s32 @p1 $0x60;
	p1 =	sgt.s32 @!p0 s21, $0x0;
	s21 =	sshra.s32 @!p0 s11, $0x1F  }
0x3c: {  	s19 =	ssub.s32 @!p0 $0xE0, s19;
	s18 =	ssub.s32 @!p0 $0x80, s18;
	s21 =	sand.u32 @!p0 s21, s11  }
0x3d: {  	p2 =	por !p2, p0;
	p1 =	por !p1, p0;
	s20 =	ssub.s32 @!p0 s20, s21  }
0x3e: {  	s18 =	simm.s32 @!p2 $0x0;
	s19 =	simm.s32 @!p1 $0x0;
	s21 =	sadd.s32 @!p0 $0xFFFFFFA0, s20  }
0x3f: {  	s0 =	ssub.s32 @!p0 s0, s1;
	s18 =	smul.u32 @!p0 s19, s18;
	p1 =	sgt.s32 @!p0 s21, $0x7F  }
0x40: {  	s19 =	ssub.s32 @!p0 $0xE0, s20;
	s20 =	smul.u32 @!p0 $0xC4000, s14;
	p1 =	por !p1, p0  }
0x41: {  	s1 =	smul.u32 @!p0 $0xE00, s13;
	s21 =	sxor.u32 @!p0 $0xFFFFFFFF, s9;
	s19 =	simm.s32 @!p1 $0x0  }
0x42: {  	s21 =	sshll.u32 @!p0 s21, $0xE;
	s18 =	smul.u32 @!p0 s19, s18;
	s19 =	sadd.s32 @!p0 s6, s20  }
0x43: {  	s0 =	sshll.u32 @!p0 s0, $0x4;
	s20 =	sand.u32 @!p0 $0x4000, s21;
	s1 =	sadd.s32 @!p0 s1, s19  }
0x44: {  	s18 =	sand.u32 @!p0 $0x3FFFFF80, s18;
	s0 =	sadd.s32 @!p0 s0, s1;
	s1 =	simm.s32 @!p0 $0x0  }
0x45: {  	[tilespmem:s20], [sflag:$0x1] =	stream.linear.gather @!p0 [hbm4b:s0+s1], s18, $0x38;
	[tilespmem:$0x10100] =	vst v63  }
0x46: {  	p0 =	seq.s32 s9, $0x0  }
0x47: {  	p1 =	seq.s32 @!p0 s9, $0x71  }
0x48: {  	p0 =	por p0, p1  }
.Ltmp2:
0x49: {  	_ = 	snop;
	(pc) =	sbr.rel @p0 .LBB1_10-.Ltmp2, $1  }
0x4a: {  	_ =	sdelay $0x3  }
0x4b: {  	p0 =	sgt.s32 s12, $0x7;
	s0 =	smov.u32 s12;
	s1 =	sshra.s32 s12, $0x1F  }
0x4c: {  	s18 =	sshra.s32 s10, $0x1F;
	s26 =	ssub.s32 $0x0, s8;
	s27 =	sshra.s32 s8, $0x1F  }
0x4d: {  	p1 =	sgt.s32 s8, $0x60;
	s20 =	smov.u32 s8;
	s0 =	simm.s32 @!p0 $0x7  }
0x4e: {  	s1 =	sand.u32 s1, s12;
	p0 =	sgt.s32 s10, $0xDF;
	s18 =	sand.u32 s18, s10  }
0x4f: {  	s20 =	simm.s32 @!p1 $0x60;
	s0 =	ssub.s32 s0, s1;
	s1 =	smov.u32 s10  }
0x50: {  	s19 =	sadd.s32 $0xFFFFFFF9, s0;
	s1 =	simm.s32 @!p0 $0xDF;
	s0 =	ssub.s32 $0x8, s0  }
0x51: {  	p0 =	sgt.s32 s19, $0x0;
	s1 =	ssub.s32 s1, s18;
	s19 =	sand.u32 s26, s27  }
0x52: {  	s21 =	sadd.s32 $0xFFFFFF21, s1;
	s1 =	ssub.s32 $0xE0, s1;
	s18 =	sadd.s32 s19, s20  }
0x53: {  	s0 =	simm.s32 @p0 $0x0;
	p1 =	sgt.s32 s21, $0x0;
	s20 =	sadd.s32 $0xFFFFFFA0, s18  }
0x54: {  	s1 =	simm.s32 @p1 $0x0;
	s28 =	sshll.u32 s20, $0x7;
	p0 =	sgt.s32 s20, $0x7F  }
0x55: {  	s18 =	smul.u32 s0, s1;
	s0 =	ssub.s32 $0x4000, s28;
	s1 =	sadd.s32 $0x1, s12  }
0x56: {  	s20 =	sadd.s32 $0x1, s10;
	s0 =	simm.s32 @p0 $0x0;
	p0 =	slt.s32 s1, $0x8  }
0x57: {  	s1 =	simm.s32 @!p0 $0x8;
	p0 =	slt.s32 s20, $0xE0  }
0x58: {  	s21 =	ssub.s32 s1, s12;
	s20 =	simm.s32 @!p0 $0xE0;
	s1 =	sadd.s32 $0x80, s8  }
0x59: {  	s22 =	ssub.s32 s20, s10;
	p1 =	slt.s32 s1, $0xE0;
	p0 =	slt.s32 s21, $0x1  }
0x5a: {  	s1 =	simm.s32 @!p1 $0xE0;
	p1 =	slt.s32 @!p0 s22, $0x1  }
0x5b: {  	s23 =	ssub.s32 s1, s8;
	p1 =	por p0, p1  }
0x5c: {  	p2 =	slt.s32 @!p1 s23, $0x1  }
0x5d: {  	s0 =	smul.u32 s18, s0;
	p1 =	por p1, p2  }
.Ltmp3:
0x5e: {  	_ = 	snop;
	(pc) =	sbr.rel @p1 .LBB1_9-.Ltmp3, $4  }
0x5f: {  	s2 =	simm.s32 $0x1;
	s29 =	sand.u32 $0x3FFFFF80, s0;
	s0 =	sand.u32 $0x1, s9  }
0x60: {  	_ =	swait.ge [sflag:s2], s29;
	s31 =	smul.u32 $0x4080, s0  }
0x61: {  	s30 =	ssub.s32 $0x0, s29;
	[sflag:s2] =	ssyncset.done $0x0  }
0x62: {  	[sflag:s2] =	ssyncadd.s32 s30;
	[dreg:$0x6] =	wrdreg s31  }
0x63: {  	s24 =	sshll.u32 @!p0 s0, $0xE;
	s0 =	rddreg [dreg:$0x6]  }
0x64: {  	s26 =	simm.s32 $0x0;
	s25 =	sor.u32 @!p0 $0x8000, s0  }
.LBB1_4:
0x65: {  	s27 =	simm.s32 $0x0  }
.LBB1_5:
0x66: {  	s0 =	sadd.s32 s26, s27  }
0x67: {  	s1 =	sshll.u32 s0, $0x10  }
0x68: {  	s1 =	sshra.s32 s1, $0x2  }
0x69: {  	s1 =	sadd.s32 s1, s24  }
0x6a: {  	s29 =	simm.s32 $0x0;
	s7 =	simm.s32 $0x0;
	s0 =	smul.u32 $0x10200, s0;
	v0 =	vmov s1  }
0x6b: {  	s31 =	simm.s32 $0x10;
	s4 =	simm.s32 $0x30;
	s3 =	simm.s32 $0x50  }
0x6c: {  	s31 =	sand.u32 $0x78, s31;
	s4 =	sand.u32 $0x78, s4;
	s0 =	sshra.s32 s0, $0x2  }
0x6d: {  	s31 =	smul.u32 $0x204, s31;
	s28 =	sadd.s32 s0, s25;
	s0 =	sand.u32 $0x78, s7  }
0x6e: {  	s4 =	smul.u32 $0x204, s4;
	s1 =	sand.u32 $0x3F80, s29;
	s2 =	sxor.u32 $0x40, s0  }
0x6f: {  	s30 =	simm.s32 $0x1;
	s3 =	sand.u32 $0x78, s3;
	s2 =	smul.u32 $0x204, s2;
	v1 =	vld.idx.msk [tilespmem:v0+s1+$0x40 ss:$0x1], $0xffff  }
0x70: {  	p0 =	sne.s32 s23, $0x1;
	s5 =	sand.u32 $0x7F, s29;
	s3 =	smul.u32 $0x204, s3  }
0x71: {  	s7 =	simm.s32 $0x20;
	s0 =	smul.u32 $0x204, s0;
	s2 =	sshrl.u32 s2, $0x2;
	v2 =	vld.idx.msk [tilespmem:v0+s1+$0x0 ss:$0x1], $0xffff  }
0x72: {  	s31 =	sshrl.u32 s31, $0x2;
	s7 =	sand.u32 $0x78, s7;
	v3 =	vld.idx.msk [tilespmem:v0+s1+$0x10 ss:$0x1], $0xffff;
	s2 =	sadd.s32 s2, s28  }
0x73: {  	s7 =	smul.u32 $0x204, s7;
	s0 =	sshrl.u32 s0, $0x2;
	v4 =	vld.idx.msk [tilespmem:v0+s1+$0x20 ss:$0x1], $0xffff;
	s2 =	sadd.s32 s5, s2  }
.Ltmp4:
0x74: {  	s4 =	sshrl.u32 s4, $0x2;
	s0 =	sadd.s32 s0, s28;
	[tilespmem:s2+$0x0 ss:$0x81] =	vst.msk $0xffff, v1;
	v1 =	vld.idx.msk [tilespmem:v0+s1+$0x30 ss:$0x1], $0xffff;
	(pc) =	sbr.rel @!p0 .LBB1_7-.Ltmp4, $4  }
0x75: {  	s20 =	sadd.s32 s31, s28;
	s7 =	sshrl.u32 s7, $0x2;
	s0 =	sadd.s32 s5, s0  }
0x76: {  	s3 =	sshrl.u32 s3, $0x2;
	s7 =	sadd.s32 s7, s28;
	[tilespmem:s0+$0x0 ss:$0x81] =	vst.msk $0xffff, v2;
	s2 =	sadd.s32 s5, s20;
	v2 =	vld.idx.msk [tilespmem:v0+s1+$0x50 ss:$0x1], $0xffff  }
0x77: {  	s6 =	sadd.s32 s4, s28;
	s20 =	sadd.s32 s5, s7;
	[tilespmem:s2+$0x0 ss:$0x81] =	vst.msk $0xffff, v3;
	s2 =	sadd.s32 s3, s28  }
0x78: {  	s31 =	simm.s32 $0x2808;
	s1 =	sadd.s32 s5, s6;
	[tilespmem:s20+$0x0 ss:$0x81] =	vst.msk $0xffff, v4;
	s0 =	sadd.s32 s5, s2  }
.LBB1_6:
0x79: {  	s2 =	sadd.s32 $0xFFFFD800, s31;
	s3 =	sadd.s32 $0xFFFFE000, s31;
	[tilespmem:s1+$0x0 ss:$0x81] =	vst.msk $0xffff, v1;
	s1 =	smov.u32 s30  }
0x7a: {  	s30 =	sadd.s32 $0x1, s30;
	s29 =	sadd.s32 $0x80, s29;
	s4 =	sadd.s32 $0xFFFFE800, s31  }
0x7b: {  	s5 =	sadd.s32 $0xFFFFF000, s31;
	s2 =	sshrl.u32 s2, $0x7;
	p0 =	sne.s32 s23, s30;
	[tilespmem:s0+$0x0 ss:$0x81] =	vst.msk $0xffff, v2  }
0x7c: {  	s6 =	sshrl.u32 s31, $0x7;
	s0 =	sand.u32 $0x3F80, s29;
	s2 =	sand.u32 $0x78, s2  }
0x7d: {  	s3 =	sshrl.u32 s3, $0x7;
	s4 =	sshrl.u32 s4, $0x7;
	v3 =	vld.idx.msk [tilespmem:v0+s0+$0x40 ss:$0x1], $0xffff;
	s7 =	sxor.u32 $0x40, s2  }
0x7e: {  	s5 =	sshrl.u32 s5, $0x7;
	s6 =	sand.u32 $0x78, s6;
	v4 =	vld.idx.msk [tilespmem:v0+s0+$0x0 ss:$0x1], $0xffff;
	s7 =	smul.u32 $0x204, s7  }
0x7f: {  	s20 =	sand.u32 $0x7F, s1;
	s3 =	sand.u32 $0x78, s3;
	s4 =	sand.u32 $0x78, s4;
	v5 =	vld.idx.msk [tilespmem:v0+s0+$0x10 ss:$0x1], $0xffff  }
0x80: {  	s5 =	sand.u32 $0x78, s5;
	s1 =	smul.u32 $0x204, s2;
	v6 =	vld.idx.msk [tilespmem:v0+s0+$0x20 ss:$0x1], $0xffff;
	s7 =	sshrl.u32 s7, $0x2  }
0x81: {  	s3 =	smul.u32 $0x204, s3;
	v1 =	vld.idx.msk [tilespmem:v0+s0+$0x30 ss:$0x1], $0xffff;
	s2 =	sadd.s32 s7, s28  }
0x82: {  	s2 =	sadd.s32 s20, s2;
	v2 =	vld.idx.msk [tilespmem:v0+s0+$0x50 ss:$0x1], $0xffff;
	s0 =	sshrl.u32 s1, $0x2;
	s1 =	smul.u32 $0x204, s4  }
0x83: {  	s4 =	smul.u32 $0x204, s6;
	[tilespmem:s2+$0x0 ss:$0x81] =	vst.msk $0xffff, v3  }
0x84: {  	s0 =	sadd.s32 s0, s28;
	s2 =	sshrl.u32 s3, $0x2;
	s3 =	smul.u32 $0x204, s5  }
.Ltmp5:
0x85: {  	s2 =	sadd.s32 s2, s28;
	s1 =	sshrl.u32 s1, $0x2;
	(pc) =	sbr.rel @p0 .LBB1_6-.Ltmp5, $4  }
0x86: {  	s0 =	sadd.s32 s20, s0;
	s1 =	sadd.s32 s1, s28;
	s3 =	sshrl.u32 s3, $0x2  }
0x87: {  	[tilespmem:s0+$0x0 ss:$0x81] =	vst.msk $0xffff, v4;
	s0 =	sadd.s32 s20, s2;
	s2 =	sadd.s32 s3, s28;
	s3 =	sshrl.u32 s4, $0x2  }
0x88: {  	[tilespmem:s0+$0x0 ss:$0x81] =	vst.msk $0xffff, v5;
	s0 =	sadd.s32 s20, s1;
	s1 =	sadd.s32 s20, s2;
	s2 =	sadd.s32 s3, s28  }
0x89: {  	s31 =	sadd.s32 $0x8, s31;
	[tilespmem:s0+$0x0 ss:$0x81] =	vst.msk $0xffff, v6;
	s0 =	sadd.s32 s20, s2  }
.LBB1_7:
0x8a: {  	s27 =	sadd.s32 $0x1, s27  }
0x8b: {  	p0 =	sne.s32 s27, s22  }
.Ltmp6:
0x8c: {  	_ = 	snop;
	(pc) =	sbr.rel @p0 .LBB1_5-.Ltmp6, $3  }
0x8d: {  	_ =	sdelay $0x1  }
0x8e: {  	[tilespmem:s1+$0x0 ss:$0x81] =	vst.msk $0xffff, v1  }
0x8f: {  	[tilespmem:s0+$0x0 ss:$0x81] =	vst.msk $0xffff, v2  }
0x90: {  	s26 =	sadd.s32 $0x1, s26  }
0x91: {  	p0 =	sne.s32 s26, s21  }
.Ltmp7:
0x92: {  	_ = 	snop;
	(pc) =	sbr.rel @p0 .LBB1_4-.Ltmp7, $4  }
.Ltmp8:
0x93: {  	_ = 	snop;
	(pc) =	sbr.rel @!p0 .LBB1_9-.Ltmp8, $4  }
0x94: {  	_ = 	snop  }
0x95: {  	_ = 	snop  }
0x96: {  	_ = 	snop  }
0x97: {  	_ = 	snop  }
.LBB1_11:
0x98: {  	_ =	sfence.sel $0x180000  }
0x99: {  	s0 =	simm.s32 $0x1;
	[bflag:$0x0] =	sbarrier.arrive $0xFFFF  }
0x9a: {  	s30 =	simm.s32 $0x2;
	[sflag:s0] =	ssyncpa.u1 $0x1  }
0x9b: {  	[sflag:s30] =	ssyncpa.u1 $0x1  }
0x9c: {  	_ =	strace $0x9000004A  }
0x9d: {  	s31 =	stileid.u32;
	[bflag:$0x2] =	sbarrier.arrive $0xFFFF  }
0x9e: {  	p0 =	sne.s32 s31, $0x0;
	s0 =	rddreg [dreg:$0x2]  }
0x9f: {  	s0 =	sadd.s32 @!p0 $0x100000, s0  }
0xa0: {  	[sflag:s0] =	ssyncadd.tile.s32 @!p0 $0x1;
	_ =	shalt  }
.Lfunc_end1:
_tile_overlayer_lowered:
.L_overlay_start_2:
0xa1: {  	(tag) =	ssettag $0x2  }
0xa2: {  	s0 =	rddreg [dreg:$0x0];
	s2 =	stileid.u32  }
0xa3: {  	s1 =	rddreg [dreg:$0x1];
	p0 =	sne.s32 s2, $0x0  }
0xa4: {  	s3 =	rddreg [dreg:$0x2];
	[bflag:$0x3] =	sbarrier.arrive $0xFFFF;
	s2 =	simm.s32 @!p0 $0x1C01  }
0xa5: {  	[timem:s3], [sflag:s2] =	dma.local @!p0 [hbm:s0], s1  }
0xa6: {  	s0 =	simm.s32 @!p0 $0x1  }
0xa7: {  	_ =	swait.ge @!p0 [sflag:s0], s1  }
0xa8: {  	s1 =	ssub.s32 @!p0 $0x0, s1;
	[sflag:s0] =	ssyncset.done @!p0 $0x0  }
0xa9: {  	[sflag:s0] =	ssyncadd.s32 @!p0 s1  }
0xaa: {  	[bflag:$0x3] =	sbarrier.arrive $0xFFFF  }
0xab: {  	_ =	shalt  }

</sc_bundles>
